<compile_context>
chip_gen: v7x
topology: tpu7x:2x2x1
jax: 0.10.2.dev20260603
libtpu: 0.0.44.dev20260713+nightly
codegen_flags: <defaults>
</compile_context>

<pallas_src>
import functools

import jax
import jax.numpy as jnp
from jax import lax
from jax.experimental import pallas as pl
from jax.experimental.pallas import tpu as pltpu
from jax.experimental.pallas import tpu_sc as plsc

CHUNK = 128
NUM_CORES = 2
NUM_SUBCORES = 16
NW = NUM_CORES * NUM_SUBCORES
N_PAD = 10240
N_PAD_DEG = 16384


def _sc_degree(dst2d, zeros_np):
    nch = dst2d.shape[0]
    cpw = nch // NW
    rps = N_PAD_DEG // NUM_SUBCORES
    mesh = plsc.VectorSubcoreMesh(core_axis_name="c", subcore_axis_name="s")

    @functools.partial(
        pl.kernel,
        mesh=mesh,
        out_type=jax.ShapeDtypeStruct((NUM_CORES * N_PAD_DEG,), jnp.float32),
        compiler_params=pltpu.CompilerParams(use_tc_tiling_on_sc=False),
        scratch_types=[
            pltpu.VMEM((cpw, CHUNK), jnp.int32),
            pltpu.VMEM((CHUNK,), jnp.float32),
            pltpu.VMEM_SHARED((N_PAD_DEG,), jnp.float32),
            pltpu.SemaphoreType.DMA,
        ],
    )
    def deg_kernel(dst_hbm, z_hbm, out_hbm, dst_v, ones_v, acc, sem):
        c = lax.axis_index("c")
        s = lax.axis_index("s")
        wid = s * NUM_CORES + c
        pltpu.sync_copy(z_hbm.at[pl.ds(s * rps, rps)], acc.at[pl.ds(s * rps, rps)])
        pltpu.sync_copy(dst_hbm.at[pl.ds(wid * cpw, cpw)], dst_v)
        for i in range(CHUNK // 16):
            ones_v[pl.ds(i * 16, 16)] = jnp.full((16,), 1.0, jnp.float32)
        plsc.subcore_barrier()

        def fire(j, carry):
            pltpu.make_async_copy(ones_v, acc.at[dst_v.at[j]], sem).start(add=True)
            return carry

        lax.fori_loop(0, cpw, fire, 0)

        def drain(j, carry):
            pltpu.make_async_copy(ones_v, acc.at[pl.ds(0, CHUNK)], sem).wait()
            return carry

        lax.fori_loop(0, cpw, drain, 0)
        plsc.subcore_barrier()
        pltpu.sync_copy(acc.at[pl.ds(s * rps, rps)],
                        out_hbm.at[pl.ds(c * N_PAD_DEG + s * rps, rps)])

    return deg_kernel(dst2d, zeros_np)


def _sc_aggregate(hs, src2d, dst2d, zeros_nf):
    n, f = hs.shape
    nch = src2d.shape[0]
    cpw = nch // NW
    epw = cpw * CHUNK
    rps = N_PAD // NUM_SUBCORES
    mesh = plsc.VectorSubcoreMesh(core_axis_name="c", subcore_axis_name="s")

    @functools.partial(
        pl.kernel,
        mesh=mesh,
        out_type=jax.ShapeDtypeStruct((NUM_CORES, N_PAD, f), jnp.float32),
        compiler_params=pltpu.CompilerParams(use_tc_tiling_on_sc=False),
        scratch_types=[
            pltpu.VMEM((cpw, CHUNK), jnp.int32),
            pltpu.VMEM((cpw, CHUNK), jnp.int32),
            pltpu.VMEM((cpw * CHUNK, f), jnp.float32),
            pltpu.VMEM_SHARED((N_PAD, f), jnp.float32),
            pltpu.SemaphoreType.DMA,
            pltpu.SemaphoreType.DMA,
        ],
    )
    def agg_kernel(hs_hbm, src_hbm, dst_hbm, z_hbm, out_hbm,
                   src_v, dst_v, rows_v, acc, gsem, ssem):
        c = lax.axis_index("c")
        s = lax.axis_index("s")
        wid = s * NUM_CORES + c
        pltpu.sync_copy(z_hbm.at[pl.ds(s * rps, rps)], acc.at[pl.ds(s * rps, rps)])
        pltpu.sync_copy(src_hbm.at[pl.ds(wid * cpw, cpw)], src_v)
        pltpu.sync_copy(dst_hbm.at[pl.ds(wid * cpw, cpw)], dst_v)
        plsc.subcore_barrier()

        def fire_gather(j, carry):
            pltpu.make_async_copy(
                hs_hbm.at[src_v.at[j]],
                rows_v.at[pl.ds(j * CHUNK, CHUNK), :], gsem).start()
            return carry

        lax.fori_loop(0, cpw, fire_gather, 0)

        def drain_gather(j, carry):
            pltpu.make_async_copy(hs_hbm.at[pl.ds(0, CHUNK), :],
                                  rows_v.at[pl.ds(0, CHUNK), :], gsem).wait()
            return carry

        lax.fori_loop(0, cpw, drain_gather, 0)

        def fire_scatter(j, carry):
            pltpu.make_async_copy(
                rows_v.at[pl.ds(j * CHUNK, CHUNK), :],
                acc.at[dst_v.at[j]], ssem).start(add=True)
            return carry

        lax.fori_loop(0, cpw, fire_scatter, 0)

        def drain_scatter(j, carry):
            pltpu.make_async_copy(rows_v.at[pl.ds(0, CHUNK), :],
                                  acc.at[pl.ds(0, CHUNK), :], ssem).wait()
            return carry

        lax.fori_loop(0, cpw, drain_scatter, 0)
        plsc.subcore_barrier()
        pltpu.sync_copy(acc.at[pl.ds(s * rps, rps), :],
                        out_hbm.at[c, pl.ds(s * rps, rps), :])

    return agg_kernel(hs, src2d, dst2d, zeros_nf)


def _tc_mm1(x, w1, block_n=2000):
    n, f_in = x.shape
    hid = w1.shape[1]
    grid = n // block_n

    def body(x_ref, w_ref, out_ref):
        out_ref[...] = jnp.dot(x_ref[...], w_ref[...],
                               preferred_element_type=jnp.float32)

    return pl.pallas_call(
        body,
        grid=(grid,),
        in_specs=[
            pl.BlockSpec((block_n, f_in), lambda i: (i, 0)),
            pl.BlockSpec((f_in, hid), lambda i: (0, 0)),
        ],
        out_specs=pl.BlockSpec((block_n, hid), lambda i: (i, 0)),
        out_shape=jax.ShapeDtypeStruct((n, hid), jnp.float32),
    )(x, w1)


def _tc_scale1(hw1, d0, d1, block_n=2000):
    n, hid = hw1.shape
    grid = n // block_n

    def body(hw_ref, d0_ref, d1_ref, hs_ref, dinv_ref):
        deg = d0_ref[...] + d1_ref[...] + 1.0
        dinv = lax.rsqrt(deg)
        hs_ref[...] = hw_ref[...] * dinv
        dinv_ref[...] = dinv

    return pl.pallas_call(
        body,
        grid=(grid,),
        in_specs=[
            pl.BlockSpec((block_n, hid), lambda i: (i, 0)),
            pl.BlockSpec((block_n, 1), lambda i: (i, 0)),
            pl.BlockSpec((block_n, 1), lambda i: (i, 0)),
        ],
        out_specs=[
            pl.BlockSpec((block_n, hid), lambda i: (i, 0)),
            pl.BlockSpec((block_n, 1), lambda i: (i, 0)),
        ],
        out_shape=[
            jax.ShapeDtypeStruct((n, hid), jnp.float32),
            jax.ShapeDtypeStruct((n, 1), jnp.float32),
        ],
    )(hw1, d0, d1)


def _tc_layer2(a0, a1, hs1, dinv, b1, block_n=2000):
    n, hid = hs1.shape
    grid = n // block_n

    def body(a0_ref, a1_ref, hs_ref, dinv_ref, b1_ref, out_ref):
        dinv = dinv_ref[...]
        t = dinv * (a0_ref[...] + a1_ref[...] + hs_ref[...]) + b1_ref[...]
        out_ref[...] = jnp.maximum(t, 0.0) * dinv

    return pl.pallas_call(
        body,
        grid=(grid,),
        in_specs=[
            pl.BlockSpec((block_n, hid), lambda i: (i, 0)),
            pl.BlockSpec((block_n, hid), lambda i: (i, 0)),
            pl.BlockSpec((block_n, hid), lambda i: (i, 0)),
            pl.BlockSpec((block_n, 1), lambda i: (i, 0)),
            pl.BlockSpec((1, hid), lambda i: (0, 0)),
        ],
        out_specs=pl.BlockSpec((block_n, hid), lambda i: (i, 0)),
        out_shape=jax.ShapeDtypeStruct((n, hid), jnp.float32),
    )(a0, a1, hs1, dinv, b1)


def _tc_final(q0, q1, hs2, dinv, w2, b2, block_n=2000):
    n, hid = hs2.shape
    c_out = w2.shape[1]
    grid = n // block_n

    def body(q0_ref, q1_ref, hs_ref, dinv_ref, w2_ref, b2_ref, out_ref):
        t = dinv_ref[...] * (q0_ref[...] + q1_ref[...] + hs_ref[...])
        logits = jnp.dot(t, w2_ref[...],
                         preferred_element_type=jnp.float32) + b2_ref[...]
        m = jnp.max(logits, axis=1, keepdims=True)
        lse = jnp.log(jnp.sum(jnp.exp(logits - m), axis=1, keepdims=True)) + m
        out_ref[...] = logits - lse

    return pl.pallas_call(
        body,
        grid=(grid,),
        in_specs=[
            pl.BlockSpec((block_n, hid), lambda i: (i, 0)),
            pl.BlockSpec((block_n, hid), lambda i: (i, 0)),
            pl.BlockSpec((block_n, hid), lambda i: (i, 0)),
            pl.BlockSpec((block_n, 1), lambda i: (i, 0)),
            pl.BlockSpec((hid, c_out), lambda i: (0, 0)),
            pl.BlockSpec((1, c_out), lambda i: (0, 0)),
        ],
        out_specs=pl.BlockSpec((block_n, c_out), lambda i: (i, 0)),
        out_shape=jax.ShapeDtypeStruct((n, c_out), jnp.float32),
    )(q0, q1, hs2, dinv, w2, b2)


def kernel(x, edge_index, W1, b1, W2, b2):
    n, f_in = x.shape
    e = edge_index.shape[1]
    hid = W1.shape[1]
    c_out = W2.shape[1]

    e_pad = ((e + CHUNK * NW - 1) // (CHUNK * NW)) * (CHUNK * NW)
    pad = e_pad - e
    src_full = jnp.concatenate([edge_index[0], jnp.zeros((pad,), jnp.int32)])
    dst_full = jnp.concatenate(
        [edge_index[1], jnp.full((pad,), n, jnp.int32)])
    src2d = src_full.reshape(e_pad // CHUNK, CHUNK)
    dst2d = dst_full.reshape(e_pad // CHUNK, CHUNK)

    zeros_np = jnp.zeros((N_PAD_DEG,), jnp.float32)
    zeros_nh = jnp.zeros((N_PAD, hid), jnp.float32)
    b1r = b1.reshape(1, hid)
    b2r = b2.reshape(1, c_out)

    hw1 = _tc_mm1(x, W1)
    degp = _sc_degree(dst2d, zeros_np)
    d0 = degp[:n].reshape(n, 1)
    d1 = degp[N_PAD_DEG:N_PAD_DEG + n].reshape(n, 1)

    hs1, dinv = _tc_scale1(hw1, d0, d1)
    p = _sc_aggregate(hs1, src2d, dst2d, zeros_nh)
    hs2 = _tc_layer2(p[0, :n], p[1, :n], hs1, dinv, b1r)
    q = _sc_aggregate(hs2, src2d, dst2d, zeros_nh)
    return _tc_final(q[0, :n], q[1, :n], hs2, dinv, W2, b2r)

# --- scband reference (transcript-rebuilt; emitter-appended) ---
"""Pipeline reference for scband-gcnnet-695784702039 (READ-ONLY COPY).

The authoritative reference and input builder live on the scoring server;
editing this copy changes nothing except your own understanding.
"""

import jax, jax.numpy as jnp
import numpy as np

N = 10000
E = 160000
F_IN = 256
HID = 16
C = 40

def setup_inputs(seed: int = 0) -> dict:
    key = jax.random.key(seed)
    k1, k2, k3, k4, k5, k6 = jax.random.split(key, 6)
    x = jax.random.normal(k1, (N, F_IN), dtype=jnp.float32)
    edge_index = jax.random.randint(k2, (2, E), 0, N, dtype=jnp.int32)
    W1 = jax.random.normal(k3, (F_IN, HID), dtype=jnp.float32) * (1.0 / np.sqrt(F_IN))
    b1 = jnp.zeros((HID,), dtype=jnp.float32)
    W2 = jax.random.normal(k4, (HID, C), dtype=jnp.float32) * (1.0 / np.sqrt(HID))
    b2 = jnp.zeros((C,), dtype=jnp.float32)
    return {"x": x, "edge_index": edge_index, "W1": W1, "b1": b1, "W2": W2, "b2": b2}


def _gcn_conv(h, edge_index, W, b):
    # GCNConv: out = D^{-1/2} (A + I) D^{-1/2} (h @ W) + b
    hw = h @ W
    src = edge_index[0]
    dst = edge_index[1]
    loop = jnp.arange(N, dtype=src.dtype)
    src_full = jnp.concatenate([src, loop])
    dst_full = jnp.concatenate([dst, loop])
    deg = jnp.zeros((N,), dtype=hw.dtype).at[dst_full].add(1.0)
    deg_inv_sqrt = jnp.where(deg > 0, jax.lax.rsqrt(jnp.maximum(deg, 1e-12)), 0.0)
    norm = deg_inv_sqrt[src_full] * deg_inv_sqrt[dst_full]
    msg = hw[src_full] * norm[:, None]
    out = jax.ops.segment_sum(msg, dst_full, num_segments=N)
    return out + b


def reference(x, edge_index, W1, b1, W2, b2):
    h = jax.nn.relu(_gcn_conv(x, edge_index, W1, b1))
    # F.dropout is identity in eval mode (deterministic reference)
    h = _gcn_conv(h, edge_index, W2, b2)
    return jax.nn.log_softmax(h, axis=1)

if __name__ == "__main__":
    import jax
    _d = setup_inputs()
    print(jax.jit(kernel)(*tuple(_d.values())))

</pallas_src>

<mosaic_0001>
#map = affine_map<(d0, d1) -> (0, 0)>
#map1 = affine_map<(d0, d1) -> (0)>
module attributes {stable_mosaic.version = 14 : i64} {
  func.func @deg_kernel(%arg0: i32, %arg1: i32, %arg2: memref<1280x128xi32, #tpu.memory_space<hbm>>, %arg3: memref<16384xf32, #tpu.memory_space<hbm>>, %arg4: memref<32768xf32, #tpu.memory_space<hbm>>, %arg5: memref<40x128xi32, #tpu.memory_space<vmem>>, %arg6: memref<128xf32, #tpu.memory_space<vmem>>, %arg7: memref<16384xf32, #tpu.memory_space<vmem_shared>>, %arg8: memref<!tpu.dma_semaphore, #tpu.memory_space<semaphore_mem>>) attributes {dimension_semantics = [#tpu.dimension_semantics<core_parallel>, #tpu.dimension_semantics<subcore_parallel>], iteration_bounds = array<i64: 2, 16>, scalar_prefetch = 0 : i64, scratch_operands = 4 : i64, tpu.core_type = #tpu.core_type<sc_vector_subcore>, window_params = [{transform_indices = #map}, {transform_indices = #map1}, {transform_indices = #map1}]} {
    %mul3A = arith.constant 2 : i32
    %mul3A_0 = arith.muli %arg1, %mul3A : i32
    %add3A = arith.addi %mul3A_0, %arg0 : i32
    %mul3A_1 = arith.constant 1024 : i32
    %mul3A_2 = arith.muli %arg1, %mul3A_1 : i32
    %mul3A_3 = arith.constant 1024 : i32
    %mul3A_4 = arith.muli %arg1, %mul3A_3 : i32
    "tpu.region"() ({
      %run_scoped3A = tpu.sem_alloc : memref<!tpu.dma_semaphore, #tpu.memory_space<semaphore_mem>>
      %dma_start3A = tpu.memref_slice %arg7[%mul3A_4] : memref<16384xf32, #tpu.memory_space<vmem_shared>> -> memref<1024xf32, #tpu.memory_space<vmem_shared>>
      %dma_start3A_72 = tpu.memref_slice %arg3[%mul3A_2] : memref<16384xf32, #tpu.memory_space<hbm>> -> memref<1024xf32, #tpu.memory_space<hbm>>
      tpu.enqueue_dma source(%dma_start3A_72 : memref<1024xf32, #tpu.memory_space<hbm>>) target(%dma_start3A : memref<1024xf32, #tpu.memory_space<vmem_shared>>) target_semaphore(%run_scoped3A : memref<!tpu.dma_semaphore, #tpu.memory_space<semaphore_mem>>)
      %dma_wait3A = tpu.memref_slice %arg7[%mul3A_4] : memref<16384xf32, #tpu.memory_space<vmem_shared>> -> memref<1024xf32, #tpu.memory_space<vmem_shared>>
      %dma_wait3A_73 = tpu.memref_slice %arg3[%mul3A_2] : memref<16384xf32, #tpu.memory_space<hbm>> -> memref<1024xf32, #tpu.memory_space<hbm>>
      tpu.wait_dma2 semaphore(%run_scoped3A : memref<!tpu.dma_semaphore, #tpu.memory_space<semaphore_mem>>) src(%dma_wait3A_73 : memref<1024xf32, #tpu.memory_space<hbm>>) dst(%dma_wait3A : memref<1024xf32, #tpu.memory_space<vmem_shared>>)
      tpu.yield
    }) : () -> ()
    %mul3A_5 = arith.constant 40 : i32
    %mul3A_6 = arith.muli %add3A, %mul3A_5 : i32
    "tpu.region"() ({
      %run_scoped3A = tpu.sem_alloc : memref<!tpu.dma_semaphore, #tpu.memory_space<semaphore_mem>>
      %dma_start3A = arith.constant 0 : i32
      %dma_start3A_72 = tpu.memref_slice %arg2[%mul3A_6, %dma_start3A] : memref<1280x128xi32, #tpu.memory_space<hbm>> -> memref<40x128xi32, #tpu.memory_space<hbm>>
      %dma_start3A_73 = arith.constant 0 : i32
      %dma_start3A_74 = tpu.memref_slice %arg2[%mul3A_6, %dma_start3A_73] : memref<1280x128xi32, #tpu.memory_space<hbm>> -> memref<40x128xi32, #tpu.memory_space<hbm>>
      tpu.enqueue_dma source(%dma_start3A_74 : memref<40x128xi32, #tpu.memory_space<hbm>>) target(%arg5 : memref<40x128xi32, #tpu.memory_space<vmem>>) target_semaphore(%run_scoped3A : memref<!tpu.dma_semaphore, #tpu.memory_space<semaphore_mem>>)
      %dma_wait3A = arith.constant 0 : i32
      %dma_wait3A_75 = tpu.memref_slice %arg2[%mul3A_6, %dma_wait3A] : memref<1280x128xi32, #tpu.memory_space<hbm>> -> memref<40x128xi32, #tpu.memory_space<hbm>>
      %dma_wait3A_76 = arith.constant 0 : i32
      %dma_wait3A_77 = tpu.memref_slice %arg2[%mul3A_6, %dma_wait3A_76] : memref<1280x128xi32, #tpu.memory_space<hbm>> -> memref<40x128xi32, #tpu.memory_space<hbm>>
      tpu.wait_dma2 semaphore(%run_scoped3A : memref<!tpu.dma_semaphore, #tpu.memory_space<semaphore_mem>>) src(%dma_wait3A_77 : memref<40x128xi32, #tpu.memory_space<hbm>>) dst(%arg5 : memref<40x128xi32, #tpu.memory_space<vmem>>)
      tpu.yield
    }) : () -> ()
    %broadcast_in_dim3A = arith.constant 1.000000e+00 : f32
    %broadcast_in_dim3A_7 = vector.broadcast %broadcast_in_dim3A : f32 to vector<16xf32>
    %swap3A = arith.constant 0 : index
    %swap3A_8 = tpu.vector_load %arg6[%swap3A] {strides = array<i32>} : memref<128xf32, #tpu.memory_space<vmem>>, vector<16xf32>,
    %swap3A_9 = vector.shape_cast %swap3A_8 : vector<16xf32> to vector<16xf32>
    %swap3A_10 = vector.shape_cast %broadcast_in_dim3A_7 : vector<16xf32> to vector<16xf32>
    tpu.vector_store %arg6[%swap3A], %swap3A_10 {strides = array<i32>} : memref<128xf32, #tpu.memory_space<vmem>>, vector<16xf32>,
    %broadcast_in_dim3A_11 = arith.constant 1.000000e+00 : f32
    %broadcast_in_dim3A_12 = vector.broadcast %broadcast_in_dim3A_11 : f32 to vector<16xf32>
    %swap3A_13 = arith.constant 16 : index
    %swap3A_14 = tpu.vector_load %arg6[%swap3A_13] {strides = array<i32>} : memref<128xf32, #tpu.memory_space<vmem>>, vector<16xf32>,
    %swap3A_15 = vector.shape_cast %swap3A_14 : vector<16xf32> to vector<16xf32>
    %swap3A_16 = vector.shape_cast %broadcast_in_dim3A_12 : vector<16xf32> to vector<16xf32>
    tpu.vector_store %arg6[%swap3A_13], %swap3A_16 {strides = array<i32>} : memref<128xf32, #tpu.memory_space<vmem>>, vector<16xf32>,
    %broadcast_in_dim3A_17 = arith.constant 1.000000e+00 : f32
    %broadcast_in_dim3A_18 = vector.broadcast %broadcast_in_dim3A_17 : f32 to vector<16xf32>
    %swap3A_19 = arith.constant 32 : index
    %swap3A_20 = tpu.vector_load %arg6[%swap3A_19] {strides = array<i32>} : memref<128xf32, #tpu.memory_space<vmem>>, vector<16xf32>,
    %swap3A_21 = vector.shape_cast %swap3A_20 : vector<16xf32> to vector<16xf32>
    %swap3A_22 = vector.shape_cast %broadcast_in_dim3A_18 : vector<16xf32> to vector<16xf32>
    tpu.vector_store %arg6[%swap3A_19], %swap3A_22 {strides = array<i32>} : memref<128xf32, #tpu.memory_space<vmem>>, vector<16xf32>,
    %broadcast_in_dim3A_23 = arith.constant 1.000000e+00 : f32
    %broadcast_in_dim3A_24 = vector.broadcast %broadcast_in_dim3A_23 : f32 to vector<16xf32>
    %swap3A_25 = arith.constant 48 : index
    %swap3A_26 = tpu.vector_load %arg6[%swap3A_25] {strides = array<i32>} : memref<128xf32, #tpu.memory_space<vmem>>, vector<16xf32>,
    %swap3A_27 = vector.shape_cast %swap3A_26 : vector<16xf32> to vector<16xf32>
    %swap3A_28 = vector.shape_cast %broadcast_in_dim3A_24 : vector<16xf32> to vector<16xf32>
    tpu.vector_store %arg6[%swap3A_25], %swap3A_28 {strides = array<i32>} : memref<128xf32, #tpu.memory_space<vmem>>, vector<16xf32>,
    %broadcast_in_dim3A_29 = arith.constant 1.000000e+00 : f32
    %broadcast_in_dim3A_30 = vector.broadcast %broadcast_in_dim3A_29 : f32 to vector<16xf32>
    %swap3A_31 = arith.constant 64 : index
    %swap3A_32 = tpu.vector_load %arg6[%swap3A_31] {strides = array<i32>} : memref<128xf32, #tpu.memory_space<vmem>>, vector<16xf32>,
    %swap3A_33 = vector.shape_cast %swap3A_32 : vector<16xf32> to vector<16xf32>
    %swap3A_34 = vector.shape_cast %broadcast_in_dim3A_30 : vector<16xf32> to vector<16xf32>
    tpu.vector_store %arg6[%swap3A_31], %swap3A_34 {strides = array<i32>} : memref<128xf32, #tpu.memory_space<vmem>>, vector<16xf32>,
    %broadcast_in_dim3A_35 = arith.constant 1.000000e+00 : f32
    %broadcast_in_dim3A_36 = vector.broadcast %broadcast_in_dim3A_35 : f32 to vector<16xf32>
    %swap3A_37 = arith.constant 80 : index
    %swap3A_38 = tpu.vector_load %arg6[%swap3A_37] {strides = array<i32>} : memref<128xf32, #tpu.memory_space<vmem>>, vector<16xf32>,
    %swap3A_39 = vector.shape_cast %swap3A_38 : vector<16xf32> to vector<16xf32>
    %swap3A_40 = vector.shape_cast %broadcast_in_dim3A_36 : vector<16xf32> to vector<16xf32>
    tpu.vector_store %arg6[%swap3A_37], %swap3A_40 {strides = array<i32>} : memref<128xf32, #tpu.memory_space<vmem>>, vector<16xf32>,
    %broadcast_in_dim3A_41 = arith.constant 1.000000e+00 : f32
    %broadcast_in_dim3A_42 = vector.broadcast %broadcast_in_dim3A_41 : f32 to vector<16xf32>
    %swap3A_43 = arith.constant 96 : index
    %swap3A_44 = tpu.vector_load %arg6[%swap3A_43] {strides = array<i32>} : memref<128xf32, #tpu.memory_space<vmem>>, vector<16xf32>,
    %swap3A_45 = vector.shape_cast %swap3A_44 : vector<16xf32> to vector<16xf32>
    %swap3A_46 = vector.shape_cast %broadcast_in_dim3A_42 : vector<16xf32> to vector<16xf32>
    tpu.vector_store %arg6[%swap3A_43], %swap3A_46 {strides = array<i32>} : memref<128xf32, #tpu.memory_space<vmem>>, vector<16xf32>,
    %broadcast_in_dim3A_47 = arith.constant 1.000000e+00 : f32
    %broadcast_in_dim3A_48 = vector.broadcast %broadcast_in_dim3A_47 : f32 to vector<16xf32>
    %swap3A_49 = arith.constant 112 : index
    %swap3A_50 = tpu.vector_load %arg6[%swap3A_49] {strides = array<i32>} : memref<128xf32, #tpu.memory_space<vmem>>, vector<16xf32>,
    %swap3A_51 = vector.shape_cast %swap3A_50 : vector<16xf32> to vector<16xf32>
    %swap3A_52 = vector.shape_cast %broadcast_in_dim3A_48 : vector<16xf32> to vector<16xf32>
    tpu.vector_store %arg6[%swap3A_49], %swap3A_52 {strides = array<i32>} : memref<128xf32, #tpu.memory_space<vmem>>, vector<16xf32>,
    %barrier3A = arith.constant 0 : index
    tpu.barrier barrier_id(%barrier3A)
    %scan3A = arith.constant 0 : i32
    %scan3A_53 = arith.constant 0 : i32
    %scan3A_54 = arith.constant 40 : i32
    %scan3A_55 = arith.addi %scan3A_53, %scan3A_54 : i32
    %scan3A_56 = arith.constant 1 : i32
    scf.for %scan3A_72 = %scan3A_53 to %scan3A_55 step %scan3A_56  : i32 {
      %dma_start3A = arith.constant 0 : i32
      %dma_start3A_73 = tpu.memref_slice %arg5[%scan3A_72, %dma_start3A] : memref<40x128xi32, #tpu.memory_space<vmem>> -> memref<1x128xi32, #tpu.memory_space<vmem>>
      %dma_start3A_74 = tpu.memref_squeeze %dma_start3A_73 : memref<1x128xi32, #tpu.memory_space<vmem>> -> memref<128xi32, #tpu.memory_space<vmem>>
      %dma_start3A_75 = arith.constant 0 : i32
      %dma_start3A_76 = tpu.memref_slice %arg7[%dma_start3A_75] : memref<16384xf32, #tpu.memory_space<vmem_shared>> -> memref<16384xf32, #tpu.memory_space<vmem_shared>>
      tpu.enqueue_indirect_dma source(%arg6 : memref<128xf32, #tpu.memory_space<vmem>>) target(%dma_start3A_76 : memref<16384xf32, #tpu.memory_space<vmem_shared>>) offsets(%dma_start3A_74 : memref<128xi32, #tpu.memory_space<vmem>>) semaphore(%arg8 : memref<!tpu.dma_semaphore, #tpu.memory_space<semaphore_mem>>) {add = true}
    }
    %scan3A_57 = arith.constant 40 : i32
    %scan3A_58 = arith.constant 0 : i32
    %scan3A_59 = arith.constant 0 : i32
    %scan3A_60 = arith.constant 40 : i32
    %scan3A_61 = arith.addi %scan3A_59, %scan3A_60 : i32
    %scan3A_62 = arith.constant 1 : i32
    scf.for %scan3A_72 = %scan3A_59 to %scan3A_61 step %scan3A_62  : i32 {
      %dma_wait3A = arith.constant 0 : i32
      %dma_wait3A_73 = tpu.memref_slice %arg7[%dma_wait3A] : memref<16384xf32, #tpu.memory_space<vmem_shared>> -> memref<128xf32, #tpu.memory_space<vmem_shared>>
      %dma_wait3A_74 = arith.constant 0 : i32
      %dma_wait3A_75 = tpu.memref_slice %arg7[%dma_wait3A_74] : memref<16384xf32, #tpu.memory_space<vmem_shared>> -> memref<128xf32, #tpu.memory_space<vmem_shared>>
      tpu.wait_dma2 semaphore(%arg8 : memref<!tpu.dma_semaphore, #tpu.memory_space<semaphore_mem>>) src(%arg6 : memref<128xf32, #tpu.memory_space<vmem>>) dst(%dma_wait3A_75 : memref<128xf32, #tpu.memory_space<vmem_shared>>)
    }
    %scan3A_63 = arith.constant 40 : i32
    %barrier3A_64 = arith.constant 0 : index
    tpu.barrier barrier_id(%barrier3A_64)
    %mul3A_65 = arith.constant 1024 : i32
    %mul3A_66 = arith.muli %arg1, %mul3A_65 : i32
    %mul3A_67 = arith.constant 16384 : i32
    %mul3A_68 = arith.muli %arg0, %mul3A_67 : i32
    %mul3A_69 = arith.constant 1024 : i32
    %mul3A_70 = arith.muli %arg1, %mul3A_69 : i32
    %add3A_71 = arith.addi %mul3A_68, %mul3A_70 : i32
    "tpu.region"() ({
      %run_scoped3A = tpu.sem_alloc : memref<!tpu.dma_semaphore, #tpu.memory_space<semaphore_mem>>
      %dma_start3A = tpu.memref_slice %arg4[%add3A_71] : memref<32768xf32, #tpu.memory_space<hbm>> -> memref<1024xf32, #tpu.memory_space<hbm>>
      %dma_start3A_72 = tpu.memref_slice %arg7[%mul3A_66] : memref<16384xf32, #tpu.memory_space<vmem_shared>> -> memref<1024xf32, #tpu.memory_space<vmem_shared>>
      tpu.enqueue_dma source(%dma_start3A_72 : memref<1024xf32, #tpu.memory_space<vmem_shared>>) target(%dma_start3A : memref<1024xf32, #tpu.memory_space<hbm>>) target_semaphore(%run_scoped3A : memref<!tpu.dma_semaphore, #tpu.memory_space<semaphore_mem>>)
      %dma_wait3A = tpu.memref_slice %arg4[%add3A_71] : memref<32768xf32, #tpu.memory_space<hbm>> -> memref<1024xf32, #tpu.memory_space<hbm>>
      %dma_wait3A_73 = tpu.memref_slice %arg7[%mul3A_66] : memref<16384xf32, #tpu.memory_space<vmem_shared>> -> memref<1024xf32, #tpu.memory_space<vmem_shared>>
      tpu.wait_dma2 semaphore(%run_scoped3A : memref<!tpu.dma_semaphore, #tpu.memory_space<semaphore_mem>>) src(%dma_wait3A_73 : memref<1024xf32, #tpu.memory_space<vmem_shared>>) dst(%dma_wait3A : memref<1024xf32, #tpu.memory_space<hbm>>)
      tpu.yield
    }) : () -> ()
    return
  }
}

#map = affine_map<(d0, d1) -> (0, 0)>
#map1 = affine_map<(d0, d1) -> (0, 0, 0)>
module attributes {stable_mosaic.version = 14 : i64} {
  func.func @agg_kernel(%arg0: i32, %arg1: i32, %arg2: memref<10000x16xf32, #tpu.memory_space<hbm>>, %arg3: memref<1280x128xi32, #tpu.memory_space<hbm>>, %arg4: memref<1280x128xi32, #tpu.memory_space<hbm>>, %arg5: memref<10240x16xf32, #tpu.memory_space<hbm>>, %arg6: memref<2x10240x16xf32, #tpu.memory_space<hbm>>, %arg7: memref<40x128xi32, #tpu.memory_space<vmem>>, %arg8: memref<40x128xi32, #tpu.memory_space<vmem>>, %arg9: memref<5120x16xf32, #tpu.memory_space<vmem>>, %arg10: memref<10240x16xf32, #tpu.memory_space<vmem_shared>>, %arg11: memref<!tpu.dma_semaphore, #tpu.memory_space<semaphore_mem>>, %arg12: memref<!tpu.dma_semaphore, #tpu.memory_space<semaphore_mem>>) attributes {dimension_semantics = [#tpu.dimension_semantics<core_parallel>, #tpu.dimension_semantics<subcore_parallel>], iteration_bounds = array<i64: 2, 16>, scalar_prefetch = 0 : i64, scratch_operands = 6 : i64, tpu.core_type = #tpu.core_type<sc_vector_subcore>, window_params = [{transform_indices = #map}, {transform_indices = #map}, {transform_indices = #map}, {transform_indices = #map}, {transform_indices = #map1}]} {
    %mul3A = arith.constant 2 : i32
    %mul3A_0 = arith.muli %arg1, %mul3A : i32
    %add3A = arith.addi %mul3A_0, %arg0 : i32
    %mul3A_1 = arith.constant 640 : i32
    %mul3A_2 = arith.muli %arg1, %mul3A_1 : i32
    %mul3A_3 = arith.constant 640 : i32
    %mul3A_4 = arith.muli %arg1, %mul3A_3 : i32
    "tpu.region"() ({
      %run_scoped3A = tpu.sem_alloc : memref<!tpu.dma_semaphore, #tpu.memory_space<semaphore_mem>>
      %dma_start3A = arith.constant 0 : i32
      %dma_start3A_37 = tpu.memref_slice %arg10[%mul3A_4, %dma_start3A] : memref<10240x16xf32, #tpu.memory_space<vmem_shared>> -> memref<640x16xf32, #tpu.memory_space<vmem_shared>>
      %dma_start3A_38 = arith.constant 0 : i32
      %dma_start3A_39 = tpu.memref_slice %arg5[%mul3A_2, %dma_start3A_38] : memref<10240x16xf32, #tpu.memory_space<hbm>> -> memref<640x16xf32, #tpu.memory_space<hbm>>
      tpu.enqueue_dma source(%dma_start3A_39 : memref<640x16xf32, #tpu.memory_space<hbm>>) target(%dma_start3A_37 : memref<640x16xf32, #tpu.memory_space<vmem_shared>>) target_semaphore(%run_scoped3A : memref<!tpu.dma_semaphore, #tpu.memory_space<semaphore_mem>>)
      %dma_wait3A = arith.constant 0 : i32
      %dma_wait3A_40 = tpu.memref_slice %arg10[%mul3A_4, %dma_wait3A] : memref<10240x16xf32, #tpu.memory_space<vmem_shared>> -> memref<640x16xf32, #tpu.memory_space<vmem_shared>>
      %dma_wait3A_41 = arith.constant 0 : i32
      %dma_wait3A_42 = tpu.memref_slice %arg5[%mul3A_2, %dma_wait3A_41] : memref<10240x16xf32, #tpu.memory_space<hbm>> -> memref<640x16xf32, #tpu.memory_space<hbm>>
      tpu.wait_dma2 semaphore(%run_scoped3A : memref<!tpu.dma_semaphore, #tpu.memory_space<semaphore_mem>>) src(%dma_wait3A_42 : memref<640x16xf32, #tpu.memory_space<hbm>>) dst(%dma_wait3A_40 : memref<640x16xf32, #tpu.memory_space<vmem_shared>>)
      tpu.yield
    }) : () -> ()
    %mul3A_5 = arith.constant 40 : i32
    %mul3A_6 = arith.muli %add3A, %mul3A_5 : i32
    "tpu.region"() ({
      %run_scoped3A = tpu.sem_alloc : memref<!tpu.dma_semaphore, #tpu.memory_space<semaphore_mem>>
      %dma_start3A = arith.constant 0 : i32
      %dma_start3A_37 = tpu.memref_slice %arg3[%mul3A_6, %dma_start3A] : memref<1280x128xi32, #tpu.memory_space<hbm>> -> memref<40x128xi32, #tpu.memory_space<hbm>>
      %dma_start3A_38 = arith.constant 0 : i32
      %dma_start3A_39 = tpu.memref_slice %arg3[%mul3A_6, %dma_start3A_38] : memref<1280x128xi32, #tpu.memory_space<hbm>> -> memref<40x128xi32, #tpu.memory_space<hbm>>
      tpu.enqueue_dma source(%dma_start3A_39 : memref<40x128xi32, #tpu.memory_space<hbm>>) target(%arg7 : memref<40x128xi32, #tpu.memory_space<vmem>>) target_semaphore(%run_scoped3A : memref<!tpu.dma_semaphore, #tpu.memory_space<semaphore_mem>>)
      %dma_wait3A = arith.constant 0 : i32
      %dma_wait3A_40 = tpu.memref_slice %arg3[%mul3A_6, %dma_wait3A] : memref<1280x128xi32, #tpu.memory_space<hbm>> -> memref<40x128xi32, #tpu.memory_space<hbm>>
      %dma_wait3A_41 = arith.constant 0 : i32
      %dma_wait3A_42 = tpu.memref_slice %arg3[%mul3A_6, %dma_wait3A_41] : memref<1280x128xi32, #tpu.memory_space<hbm>> -> memref<40x128xi32, #tpu.memory_space<hbm>>
      tpu.wait_dma2 semaphore(%run_scoped3A : memref<!tpu.dma_semaphore, #tpu.memory_space<semaphore_mem>>) src(%dma_wait3A_42 : memref<40x128xi32, #tpu.memory_space<hbm>>) dst(%arg7 : memref<40x128xi32, #tpu.memory_space<vmem>>)
      tpu.yield
    }) : () -> ()
    %mul3A_7 = arith.constant 40 : i32
    %mul3A_8 = arith.muli %add3A, %mul3A_7 : i32
    "tpu.region"() ({
      %run_scoped3A = tpu.sem_alloc : memref<!tpu.dma_semaphore, #tpu.memory_space<semaphore_mem>>
      %dma_start3A = arith.constant 0 : i32
      %dma_start3A_37 = tpu.memref_slice %arg4[%mul3A_8, %dma_start3A] : memref<1280x128xi32, #tpu.memory_space<hbm>> -> memref<40x128xi32, #tpu.memory_space<hbm>>
      %dma_start3A_38 = arith.constant 0 : i32
      %dma_start3A_39 = tpu.memref_slice %arg4[%mul3A_8, %dma_start3A_38] : memref<1280x128xi32, #tpu.memory_space<hbm>> -> memref<40x128xi32, #tpu.memory_space<hbm>>
      tpu.enqueue_dma source(%dma_start3A_39 : memref<40x128xi32, #tpu.memory_space<hbm>>) target(%arg8 : memref<40x128xi32, #tpu.memory_space<vmem>>) target_semaphore(%run_scoped3A : memref<!tpu.dma_semaphore, #tpu.memory_space<semaphore_mem>>)
      %dma_wait3A = arith.constant 0 : i32
      %dma_wait3A_40 = tpu.memref_slice %arg4[%mul3A_8, %dma_wait3A] : memref<1280x128xi32, #tpu.memory_space<hbm>> -> memref<40x128xi32, #tpu.memory_space<hbm>>
      %dma_wait3A_41 = arith.constant 0 : i32
      %dma_wait3A_42 = tpu.memref_slice %arg4[%mul3A_8, %dma_wait3A_41] : memref<1280x128xi32, #tpu.memory_space<hbm>> -> memref<40x128xi32, #tpu.memory_space<hbm>>
      tpu.wait_dma2 semaphore(%run_scoped3A : memref<!tpu.dma_semaphore, #tpu.memory_space<semaphore_mem>>) src(%dma_wait3A_42 : memref<40x128xi32, #tpu.memory_space<hbm>>) dst(%arg8 : memref<40x128xi32, #tpu.memory_space<vmem>>)
      tpu.yield
    }) : () -> ()
    %barrier3A = arith.constant 0 : index
    tpu.barrier barrier_id(%barrier3A)
    %scan3A = arith.constant 0 : i32
    %scan3A_9 = arith.constant 0 : i32
    %scan3A_10 = arith.constant 40 : i32
    %scan3A_11 = arith.addi %scan3A_9, %scan3A_10 : i32
    %scan3A_12 = arith.constant 1 : i32
    scf.for %scan3A_37 = %scan3A_9 to %scan3A_11 step %scan3A_12  : i32 {
      %mul3A_38 = arith.constant 128 : i32
      %mul3A_39 = arith.muli %scan3A_37, %mul3A_38 : i32
      %dma_start3A = arith.constant 0 : i32
      %dma_start3A_40 = tpu.memref_slice %arg9[%mul3A_39, %dma_start3A] : memref<5120x16xf32, #tpu.memory_space<vmem>> -> memref<128x16xf32, #tpu.memory_space<vmem>>
      %dma_start3A_41 = arith.constant 0 : i32
      %dma_start3A_42 = tpu.memref_slice %arg7[%scan3A_37, %dma_start3A_41] : memref<40x128xi32, #tpu.memory_space<vmem>> -> memref<1x128xi32, #tpu.memory_space<vmem>>
      %dma_start3A_43 = tpu.memref_squeeze %dma_start3A_42 : memref<1x128xi32, #tpu.memory_space<vmem>> -> memref<128xi32, #tpu.memory_space<vmem>>
      %dma_start3A_44 = arith.constant 0 : i32
      %dma_start3A_45 = arith.constant 0 : i32
      %dma_start3A_46 = tpu.memref_slice %arg2[%dma_start3A_44, %dma_start3A_45] : memref<10000x16xf32, #tpu.memory_space<hbm>> -> memref<10000x16xf32, #tpu.memory_space<hbm>>
      tpu.enqueue_indirect_dma source(%dma_start3A_46 : memref<10000x16xf32, #tpu.memory_space<hbm>>) target(%dma_start3A_40 : memref<128x16xf32, #tpu.memory_space<vmem>>) offsets(%dma_start3A_43 : memref<128xi32, #tpu.memory_space<vmem>>) semaphore(%arg11 : memref<!tpu.dma_semaphore, #tpu.memory_space<semaphore_mem>>)
    }
    %scan3A_13 = arith.constant 40 : i32
    %scan3A_14 = arith.constant 0 : i32
    %scan3A_15 = arith.constant 0 : i32
    %scan3A_16 = arith.constant 40 : i32
    %scan3A_17 = arith.addi %scan3A_15, %scan3A_16 : i32
    %scan3A_18 = arith.constant 1 : i32
    scf.for %scan3A_37 = %scan3A_15 to %scan3A_17 step %scan3A_18  : i32 {
      %dma_wait3A = arith.constant 0 : i32
      %dma_wait3A_38 = arith.constant 0 : i32
      %dma_wait3A_39 = tpu.memref_slice %arg9[%dma_wait3A, %dma_wait3A_38] : memref<5120x16xf32, #tpu.memory_space<vmem>> -> memref<128x16xf32, #tpu.memory_space<vmem>>
      %dma_wait3A_40 = arith.constant 0 : i32
      %dma_wait3A_41 = arith.constant 0 : i32
      %dma_wait3A_42 = tpu.memref_slice %arg2[%dma_wait3A_40, %dma_wait3A_41] : memref<10000x16xf32, #tpu.memory_space<hbm>> -> memref<128x16xf32, #tpu.memory_space<hbm>>
      %dma_wait3A_43 = arith.constant 0 : i32
      %dma_wait3A_44 = arith.constant 0 : i32
      %dma_wait3A_45 = tpu.memref_slice %arg9[%dma_wait3A_43, %dma_wait3A_44] : memref<5120x16xf32, #tpu.memory_space<vmem>> -> memref<128x16xf32, #tpu.memory_space<vmem>>
      %dma_wait3A_46 = arith.constant 0 : i32
      %dma_wait3A_47 = arith.constant 0 : i32
      %dma_wait3A_48 = tpu.memref_slice %arg2[%dma_wait3A_46, %dma_wait3A_47] : memref<10000x16xf32, #tpu.memory_space<hbm>> -> memref<128x16xf32, #tpu.memory_space<hbm>>
      tpu.wait_dma2 semaphore(%arg11 : memref<!tpu.dma_semaphore, #tpu.memory_space<semaphore_mem>>) src(%dma_wait3A_48 : memref<128x16xf32, #tpu.memory_space<hbm>>) dst(%dma_wait3A_45 : memref<128x16xf32, #tpu.memory_space<vmem>>)
    }
    %scan3A_19 = arith.constant 40 : i32
    %scan3A_20 = arith.constant 0 : i32
    %scan3A_21 = arith.constant 0 : i32
    %scan3A_22 = arith.constant 40 : i32
    %scan3A_23 = arith.addi %scan3A_21, %scan3A_22 : i32
    %scan3A_24 = arith.constant 1 : i32
    scf.for %scan3A_37 = %scan3A_21 to %scan3A_23 step %scan3A_24  : i32 {
      %mul3A_38 = arith.constant 128 : i32
      %mul3A_39 = arith.muli %scan3A_37, %mul3A_38 : i32
      %dma_start3A = arith.constant 0 : i32
      %dma_start3A_40 = tpu.memref_slice %arg9[%mul3A_39, %dma_start3A] : memref<5120x16xf32, #tpu.memory_space<vmem>> -> memref<128x16xf32, #tpu.memory_space<vmem>>
      %dma_start3A_41 = arith.constant 0 : i32
      %dma_start3A_42 = tpu.memref_slice %arg8[%scan3A_37, %dma_start3A_41] : memref<40x128xi32, #tpu.memory_space<vmem>> -> memref<1x128xi32, #tpu.memory_space<vmem>>
      %dma_start3A_43 = tpu.memref_squeeze %dma_start3A_42 : memref<1x128xi32, #tpu.memory_space<vmem>> -> memref<128xi32, #tpu.memory_space<vmem>>
      %dma_start3A_44 = arith.constant 0 : i32
      %dma_start3A_45 = arith.constant 0 : i32
      %dma_start3A_46 = tpu.memref_slice %arg10[%dma_start3A_44, %dma_start3A_45] : memref<10240x16xf32, #tpu.memory_space<vmem_shared>> -> memref<10240x16xf32, #tpu.memory_space<vmem_shared>>
      tpu.enqueue_indirect_dma source(%dma_start3A_40 : memref<128x16xf32, #tpu.memory_space<vmem>>) target(%dma_start3A_46 : memref<10240x16xf32, #tpu.memory_space<vmem_shared>>) offsets(%dma_start3A_43 : memref<128xi32, #tpu.memory_space<vmem>>) semaphore(%arg12 : memref<!tpu.dma_semaphore, #tpu.memory_space<semaphore_mem>>) {add = true}
    }
    %scan3A_25 = arith.constant 40 : i32
    %scan3A_26 = arith.constant 0 : i32
    %scan3A_27 = arith.constant 0 : i32
    %scan3A_28 = arith.constant 40 : i32
    %scan3A_29 = arith.addi %scan3A_27, %scan3A_28 : i32
    %scan3A_30 = arith.constant 1 : i32
    scf.for %scan3A_37 = %scan3A_27 to %scan3A_29 step %scan3A_30  : i32 {
      %dma_wait3A = arith.constant 0 : i32
      %dma_wait3A_38 = arith.constant 0 : i32
      %dma_wait3A_39 = tpu.memref_slice %arg9[%dma_wait3A, %dma_wait3A_38] : memref<5120x16xf32, #tpu.memory_space<vmem>> -> memref<128x16xf32, #tpu.memory_space<vmem>>
      %dma_wait3A_40 = arith.constant 0 : i32
      %dma_wait3A_41 = arith.constant 0 : i32
      %dma_wait3A_42 = tpu.memref_slice %arg10[%dma_wait3A_40, %dma_wait3A_41] : memref<10240x16xf32, #tpu.memory_space<vmem_shared>> -> memref<128x16xf32, #tpu.memory_space<vmem_shared>>
      %dma_wait3A_43 = arith.constant 0 : i32
      %dma_wait3A_44 = arith.constant 0 : i32
      %dma_wait3A_45 = tpu.memref_slice %arg10[%dma_wait3A_43, %dma_wait3A_44] : memref<10240x16xf32, #tpu.memory_space<vmem_shared>> -> memref<128x16xf32, #tpu.memory_space<vmem_shared>>
      %dma_wait3A_46 = arith.constant 0 : i32
      %dma_wait3A_47 = arith.constant 0 : i32
      %dma_wait3A_48 = tpu.memref_slice %arg9[%dma_wait3A_46, %dma_wait3A_47] : memref<5120x16xf32, #tpu.memory_space<vmem>> -> memref<128x16xf32, #tpu.memory_space<vmem>>
      tpu.wait_dma2 semaphore(%arg12 : memref<!tpu.dma_semaphore, #tpu.memory_space<semaphore_mem>>) src(%dma_wait3A_48 : memref<128x16xf32, #tpu.memory_space<vmem>>) dst(%dma_wait3A_45 : memref<128x16xf32, #tpu.memory_space<vmem_shared>>)
    }
    %scan3A_31 = arith.constant 40 : i32
    %barrier3A_32 = arith.constant 0 : index
    tpu.barrier barrier_id(%barrier3A_32)
    %mul3A_33 = arith.constant 640 : i32
    %mul3A_34 = arith.muli %arg1, %mul3A_33 : i32
    %mul3A_35 = arith.constant 640 : i32
    %mul3A_36 = arith.muli %arg1, %mul3A_35 : i32
    "tpu.region"() ({
      %run_scoped3A = tpu.sem_alloc : memref<!tpu.dma_semaphore, #tpu.memory_space<semaphore_mem>>
      %dma_start3A = arith.constant 0 : i32
      %dma_start3A_37 = tpu.memref_slice %arg6[%arg0, %mul3A_36, %dma_start3A] : memref<2x10240x16xf32, #tpu.memory_space<hbm>> -> memref<1x640x16xf32, #tpu.memory_space<hbm>>
      %dma_start3A_38 = tpu.memref_squeeze %dma_start3A_37 : memref<1x640x16xf32, #tpu.memory_space<hbm>> -> memref<640x16xf32, #tpu.memory_space<hbm>>
      %dma_start3A_39 = arith.constant 0 : i32
      %dma_start3A_40 = tpu.memref_slice %arg10[%mul3A_34, %dma_start3A_39] : memref<10240x16xf32, #tpu.memory_space<vmem_shared>> -> memref<640x16xf32, #tpu.memory_space<vmem_shared>>
      tpu.enqueue_dma source(%dma_start3A_40 : memref<640x16xf32, #tpu.memory_space<vmem_shared>>) target(%dma_start3A_38 : memref<640x16xf32, #tpu.memory_space<hbm>>) target_semaphore(%run_scoped3A : memref<!tpu.dma_semaphore, #tpu.memory_space<semaphore_mem>>)
      %dma_wait3A = arith.constant 0 : i32
      %dma_wait3A_41 = tpu.memref_slice %arg6[%arg0, %mul3A_36, %dma_wait3A] : memref<2x10240x16xf32, #tpu.memory_space<hbm>> -> memref<1x640x16xf32, #tpu.memory_space<hbm>>
      %dma_wait3A_42 = tpu.memref_squeeze %dma_wait3A_41 : memref<1x640x16xf32, #tpu.memory_space<hbm>> -> memref<640x16xf32, #tpu.memory_space<hbm>>
      %dma_wait3A_43 = arith.constant 0 : i32
      %dma_wait3A_44 = tpu.memref_slice %arg10[%mul3A_34, %dma_wait3A_43] : memref<10240x16xf32, #tpu.memory_space<vmem_shared>> -> memref<640x16xf32, #tpu.memory_space<vmem_shared>>
      tpu.wait_dma2 semaphore(%run_scoped3A : memref<!tpu.dma_semaphore, #tpu.memory_space<semaphore_mem>>) src(%dma_wait3A_44 : memref<640x16xf32, #tpu.memory_space<vmem_shared>>) dst(%dma_wait3A_42 : memref<640x16xf32, #tpu.memory_space<hbm>>)
      tpu.yield
    }) : () -> ()
    return
  }
}

#map = affine_map<(d0, d1) -> (0, 0)>
#map1 = affine_map<(d0, d1) -> (0, 0, 0)>
module attributes {stable_mosaic.version = 14 : i64} {
  func.func @agg_kernel(%arg0: i32, %arg1: i32, %arg2: memref<10000x16xf32, #tpu.memory_space<hbm>>, %arg3: memref<1280x128xi32, #tpu.memory_space<hbm>>, %arg4: memref<1280x128xi32, #tpu.memory_space<hbm>>, %arg5: memref<10240x16xf32, #tpu.memory_space<hbm>>, %arg6: memref<2x10240x16xf32, #tpu.memory_space<hbm>>, %arg7: memref<40x128xi32, #tpu.memory_space<vmem>>, %arg8: memref<40x128xi32, #tpu.memory_space<vmem>>, %arg9: memref<5120x16xf32, #tpu.memory_space<vmem>>, %arg10: memref<10240x16xf32, #tpu.memory_space<vmem_shared>>, %arg11: memref<!tpu.dma_semaphore, #tpu.memory_space<semaphore_mem>>, %arg12: memref<!tpu.dma_semaphore, #tpu.memory_space<semaphore_mem>>) attributes {dimension_semantics = [#tpu.dimension_semantics<core_parallel>, #tpu.dimension_semantics<subcore_parallel>], iteration_bounds = array<i64: 2, 16>, scalar_prefetch = 0 : i64, scratch_operands = 6 : i64, tpu.core_type = #tpu.core_type<sc_vector_subcore>, window_params = [{transform_indices = #map}, {transform_indices = #map}, {transform_indices = #map}, {transform_indices = #map}, {transform_indices = #map1}]} {
    %mul3A = arith.constant 2 : i32
    %mul3A_0 = arith.muli %arg1, %mul3A : i32
    %add3A = arith.addi %mul3A_0, %arg0 : i32
    %mul3A_1 = arith.constant 640 : i32
    %mul3A_2 = arith.muli %arg1, %mul3A_1 : i32
    %mul3A_3 = arith.constant 640 : i32
    %mul3A_4 = arith.muli %arg1, %mul3A_3 : i32
    "tpu.region"() ({
      %run_scoped3A = tpu.sem_alloc : memref<!tpu.dma_semaphore, #tpu.memory_space<semaphore_mem>>
      %dma_start3A = arith.constant 0 : i32
      %dma_start3A_37 = tpu.memref_slice %arg10[%mul3A_4, %dma_start3A] : memref<10240x16xf32, #tpu.memory_space<vmem_shared>> -> memref<640x16xf32, #tpu.memory_space<vmem_shared>>
      %dma_start3A_38 = arith.constant 0 : i32
      %dma_start3A_39 = tpu.memref_slice %arg5[%mul3A_2, %dma_start3A_38] : memref<10240x16xf32, #tpu.memory_space<hbm>> -> memref<640x16xf32, #tpu.memory_space<hbm>>
      tpu.enqueue_dma source(%dma_start3A_39 : memref<640x16xf32, #tpu.memory_space<hbm>>) target(%dma_start3A_37 : memref<640x16xf32, #tpu.memory_space<vmem_shared>>) target_semaphore(%run_scoped3A : memref<!tpu.dma_semaphore, #tpu.memory_space<semaphore_mem>>)
      %dma_wait3A = arith.constant 0 : i32
      %dma_wait3A_40 = tpu.memref_slice %arg10[%mul3A_4, %dma_wait3A] : memref<10240x16xf32, #tpu.memory_space<vmem_shared>> -> memref<640x16xf32, #tpu.memory_space<vmem_shared>>
      %dma_wait3A_41 = arith.constant 0 : i32
      %dma_wait3A_42 = tpu.memref_slice %arg5[%mul3A_2, %dma_wait3A_41] : memref<10240x16xf32, #tpu.memory_space<hbm>> -> memref<640x16xf32, #tpu.memory_space<hbm>>
      tpu.wait_dma2 semaphore(%run_scoped3A : memref<!tpu.dma_semaphore, #tpu.memory_space<semaphore_mem>>) src(%dma_wait3A_42 : memref<640x16xf32, #tpu.memory_space<hbm>>) dst(%dma_wait3A_40 : memref<640x16xf32, #tpu.memory_space<vmem_shared>>)
      tpu.yield
    }) : () -> ()
    %mul3A_5 = arith.constant 40 : i32
    %mul3A_6 = arith.muli %add3A, %mul3A_5 : i32
    "tpu.region"() ({
      %run_scoped3A = tpu.sem_alloc : memref<!tpu.dma_semaphore, #tpu.memory_space<semaphore_mem>>
      %dma_start3A = arith.constant 0 : i32
      %dma_start3A_37 = tpu.memref_slice %arg3[%mul3A_6, %dma_start3A] : memref<1280x128xi32, #tpu.memory_space<hbm>> -> memref<40x128xi32, #tpu.memory_space<hbm>>
      %dma_start3A_38 = arith.constant 0 : i32
      %dma_start3A_39 = tpu.memref_slice %arg3[%mul3A_6, %dma_start3A_38] : memref<1280x128xi32, #tpu.memory_space<hbm>> -> memref<40x128xi32, #tpu.memory_space<hbm>>
      tpu.enqueue_dma source(%dma_start3A_39 : memref<40x128xi32, #tpu.memory_space<hbm>>) target(%arg7 : memref<40x128xi32, #tpu.memory_space<vmem>>) target_semaphore(%run_scoped3A : memref<!tpu.dma_semaphore, #tpu.memory_space<semaphore_mem>>)
      %dma_wait3A = arith.constant 0 : i32
      %dma_wait3A_40 = tpu.memref_slice %arg3[%mul3A_6, %dma_wait3A] : memref<1280x128xi32, #tpu.memory_space<hbm>> -> memref<40x128xi32, #tpu.memory_space<hbm>>
      %dma_wait3A_41 = arith.constant 0 : i32
      %dma_wait3A_42 = tpu.memref_slice %arg3[%mul3A_6, %dma_wait3A_41] : memref<1280x128xi32, #tpu.memory_space<hbm>> -> memref<40x128xi32, #tpu.memory_space<hbm>>
      tpu.wait_dma2 semaphore(%run_scoped3A : memref<!tpu.dma_semaphore, #tpu.memory_space<semaphore_mem>>) src(%dma_wait3A_42 : memref<40x128xi32, #tpu.memory_space<hbm>>) dst(%arg7 : memref<40x128xi32, #tpu.memory_space<vmem>>)
      tpu.yield
    }) : () -> ()
    %mul3A_7 = arith.constant 40 : i32
    %mul3A_8 = arith.muli %add3A, %mul3A_7 : i32
    "tpu.region"() ({
      %run_scoped3A = tpu.sem_alloc : memref<!tpu.dma_semaphore, #tpu.memory_space<semaphore_mem>>
      %dma_start3A = arith.constant 0 : i32
      %dma_start3A_37 = tpu.memref_slice %arg4[%mul3A_8, %dma_start3A] : memref<1280x128xi32, #tpu.memory_space<hbm>> -> memref<40x128xi32, #tpu.memory_space<hbm>>
      %dma_start3A_38 = arith.constant 0 : i32
      %dma_start3A_39 = tpu.memref_slice %arg4[%mul3A_8, %dma_start3A_38] : memref<1280x128xi32, #tpu.memory_space<hbm>> -> memref<40x128xi32, #tpu.memory_space<hbm>>
      tpu.enqueue_dma source(%dma_start3A_39 : memref<40x128xi32, #tpu.memory_space<hbm>>) target(%arg8 : memref<40x128xi32, #tpu.memory_space<vmem>>) target_semaphore(%run_scoped3A : memref<!tpu.dma_semaphore, #tpu.memory_space<semaphore_mem>>)
      %dma_wait3A = arith.constant 0 : i32
      %dma_wait3A_40 = tpu.memref_slice %arg4[%mul3A_8, %dma_wait3A] : memref<1280x128xi32, #tpu.memory_space<hbm>> -> memref<40x128xi32, #tpu.memory_space<hbm>>
      %dma_wait3A_41 = arith.constant 0 : i32
      %dma_wait3A_42 = tpu.memref_slice %arg4[%mul3A_8, %dma_wait3A_41] : memref<1280x128xi32, #tpu.memory_space<hbm>> -> memref<40x128xi32, #tpu.memory_space<hbm>>
      tpu.wait_dma2 semaphore(%run_scoped3A : memref<!tpu.dma_semaphore, #tpu.memory_space<semaphore_mem>>) src(%dma_wait3A_42 : memref<40x128xi32, #tpu.memory_space<hbm>>) dst(%arg8 : memref<40x128xi32, #tpu.memory_space<vmem>>)
      tpu.yield
    }) : () -> ()
    %barrier3A = arith.constant 0 : index
    tpu.barrier barrier_id(%barrier3A)
    %scan3A = arith.constant 0 : i32
    %scan3A_9 = arith.constant 0 : i32
    %scan3A_10 = arith.constant 40 : i32
    %scan3A_11 = arith.addi %scan3A_9, %scan3A_10 : i32
    %scan3A_12 = arith.constant 1 : i32
    scf.for %scan3A_37 = %scan3A_9 to %scan3A_11 step %scan3A_12  : i32 {
      %mul3A_38 = arith.constant 128 : i32
      %mul3A_39 = arith.muli %scan3A_37, %mul3A_38 : i32
      %dma_start3A = arith.constant 0 : i32
      %dma_start3A_40 = tpu.memref_slice %arg9[%mul3A_39, %dma_start3A] : memref<5120x16xf32, #tpu.memory_space<vmem>> -> memref<128x16xf32, #tpu.memory_space<vmem>>
      %dma_start3A_41 = arith.constant 0 : i32
      %dma_start3A_42 = tpu.memref_slice %arg7[%scan3A_37, %dma_start3A_41] : memref<40x128xi32, #tpu.memory_space<vmem>> -> memref<1x128xi32, #tpu.memory_space<vmem>>
      %dma_start3A_43 = tpu.memref_squeeze %dma_start3A_42 : memref<1x128xi32, #tpu.memory_space<vmem>> -> memref<128xi32, #tpu.memory_space<vmem>>
      %dma_start3A_44 = arith.constant 0 : i32
      %dma_start3A_45 = arith.constant 0 : i32
      %dma_start3A_46 = tpu.memref_slice %arg2[%dma_start3A_44, %dma_start3A_45] : memref<10000x16xf32, #tpu.memory_space<hbm>> -> memref<10000x16xf32, #tpu.memory_space<hbm>>
      tpu.enqueue_indirect_dma source(%dma_start3A_46 : memref<10000x16xf32, #tpu.memory_space<hbm>>) target(%dma_start3A_40 : memref<128x16xf32, #tpu.memory_space<vmem>>) offsets(%dma_start3A_43 : memref<128xi32, #tpu.memory_space<vmem>>) semaphore(%arg11 : memref<!tpu.dma_semaphore, #tpu.memory_space<semaphore_mem>>)
    }
    %scan3A_13 = arith.constant 40 : i32
    %scan3A_14 = arith.constant 0 : i32
    %scan3A_15 = arith.constant 0 : i32
    %scan3A_16 = arith.constant 40 : i32
    %scan3A_17 = arith.addi %scan3A_15, %scan3A_16 : i32
    %scan3A_18 = arith.constant 1 : i32
    scf.for %scan3A_37 = %scan3A_15 to %scan3A_17 step %scan3A_18  : i32 {
      %dma_wait3A = arith.constant 0 : i32
      %dma_wait3A_38 = arith.constant 0 : i32
      %dma_wait3A_39 = tpu.memref_slice %arg9[%dma_wait3A, %dma_wait3A_38] : memref<5120x16xf32, #tpu.memory_space<vmem>> -> memref<128x16xf32, #tpu.memory_space<vmem>>
      %dma_wait3A_40 = arith.constant 0 : i32
      %dma_wait3A_41 = arith.constant 0 : i32
      %dma_wait3A_42 = tpu.memref_slice %arg2[%dma_wait3A_40, %dma_wait3A_41] : memref<10000x16xf32, #tpu.memory_space<hbm>> -> memref<128x16xf32, #tpu.memory_space<hbm>>
      %dma_wait3A_43 = arith.constant 0 : i32
      %dma_wait3A_44 = arith.constant 0 : i32
      %dma_wait3A_45 = tpu.memref_slice %arg9[%dma_wait3A_43, %dma_wait3A_44] : memref<5120x16xf32, #tpu.memory_space<vmem>> -> memref<128x16xf32, #tpu.memory_space<vmem>>
      %dma_wait3A_46 = arith.constant 0 : i32
      %dma_wait3A_47 = arith.constant 0 : i32
      %dma_wait3A_48 = tpu.memref_slice %arg2[%dma_wait3A_46, %dma_wait3A_47] : memref<10000x16xf32, #tpu.memory_space<hbm>> -> memref<128x16xf32, #tpu.memory_space<hbm>>
      tpu.wait_dma2 semaphore(%arg11 : memref<!tpu.dma_semaphore, #tpu.memory_space<semaphore_mem>>) src(%dma_wait3A_48 : memref<128x16xf32, #tpu.memory_space<hbm>>) dst(%dma_wait3A_45 : memref<128x16xf32, #tpu.memory_space<vmem>>)
    }
    %scan3A_19 = arith.constant 40 : i32
    %scan3A_20 = arith.constant 0 : i32
    %scan3A_21 = arith.constant 0 : i32
    %scan3A_22 = arith.constant 40 : i32
    %scan3A_23 = arith.addi %scan3A_21, %scan3A_22 : i32
    %scan3A_24 = arith.constant 1 : i32
    scf.for %scan3A_37 = %scan3A_21 to %scan3A_23 step %scan3A_24  : i32 {
      %mul3A_38 = arith.constant 128 : i32
      %mul3A_39 = arith.muli %scan3A_37, %mul3A_38 : i32
      %dma_start3A = arith.constant 0 : i32
      %dma_start3A_40 = tpu.memref_slice %arg9[%mul3A_39, %dma_start3A] : memref<5120x16xf32, #tpu.memory_space<vmem>> -> memref<128x16xf32, #tpu.memory_space<vmem>>
      %dma_start3A_41 = arith.constant 0 : i32
      %dma_start3A_42 = tpu.memref_slice %arg8[%scan3A_37, %dma_start3A_41] : memref<40x128xi32, #tpu.memory_space<vmem>> -> memref<1x128xi32, #tpu.memory_space<vmem>>
      %dma_start3A_43 = tpu.memref_squeeze %dma_start3A_42 : memref<1x128xi32, #tpu.memory_space<vmem>> -> memref<128xi32, #tpu.memory_space<vmem>>
      %dma_start3A_44 = arith.constant 0 : i32
      %dma_start3A_45 = arith.constant 0 : i32
      %dma_start3A_46 = tpu.memref_slice %arg10[%dma_start3A_44, %dma_start3A_45] : memref<10240x16xf32, #tpu.memory_space<vmem_shared>> -> memref<10240x16xf32, #tpu.memory_space<vmem_shared>>
      tpu.enqueue_indirect_dma source(%dma_start3A_40 : memref<128x16xf32, #tpu.memory_space<vmem>>) target(%dma_start3A_46 : memref<10240x16xf32, #tpu.memory_space<vmem_shared>>) offsets(%dma_start3A_43 : memref<128xi32, #tpu.memory_space<vmem>>) semaphore(%arg12 : memref<!tpu.dma_semaphore, #tpu.memory_space<semaphore_mem>>) {add = true}
    }
    %scan3A_25 = arith.constant 40 : i32
    %scan3A_26 = arith.constant 0 : i32
    %scan3A_27 = arith.constant 0 : i32
    %scan3A_28 = arith.constant 40 : i32
    %scan3A_29 = arith.addi %scan3A_27, %scan3A_28 : i32
    %scan3A_30 = arith.constant 1 : i32
    scf.for %scan3A_37 = %scan3A_27 to %scan3A_29 step %scan3A_30  : i32 {
      %dma_wait3A = arith.constant 0 : i32
      %dma_wait3A_38 = arith.constant 0 : i32
      %dma_wait3A_39 = tpu.memref_slice %arg9[%dma_wait3A, %dma_wait3A_38] : memref<5120x16xf32, #tpu.memory_space<vmem>> -> memref<128x16xf32, #tpu.memory_space<vmem>>
      %dma_wait3A_40 = arith.constant 0 : i32
      %dma_wait3A_41 = arith.constant 0 : i32
      %dma_wait3A_42 = tpu.memref_slice %arg10[%dma_wait3A_40, %dma_wait3A_41] : memref<10240x16xf32, #tpu.memory_space<vmem_shared>> -> memref<128x16xf32, #tpu.memory_space<vmem_shared>>
      %dma_wait3A_43 = arith.constant 0 : i32
      %dma_wait3A_44 = arith.constant 0 : i32
      %dma_wait3A_45 = tpu.memref_slice %arg10[%dma_wait3A_43, %dma_wait3A_44] : memref<10240x16xf32, #tpu.memory_space<vmem_shared>> -> memref<128x16xf32, #tpu.memory_space<vmem_shared>>
      %dma_wait3A_46 = arith.constant 0 : i32
      %dma_wait3A_47 = arith.constant 0 : i32
      %dma_wait3A_48 = tpu.memref_slice %arg9[%dma_wait3A_46, %dma_wait3A_47] : memref<5120x16xf32, #tpu.memory_space<vmem>> -> memref<128x16xf32, #tpu.memory_space<vmem>>
      tpu.wait_dma2 semaphore(%arg12 : memref<!tpu.dma_semaphore, #tpu.memory_space<semaphore_mem>>) src(%dma_wait3A_48 : memref<128x16xf32, #tpu.memory_space<vmem>>) dst(%dma_wait3A_45 : memref<128x16xf32, #tpu.memory_space<vmem_shared>>)
    }
    %scan3A_31 = arith.constant 40 : i32
    %barrier3A_32 = arith.constant 0 : index
    tpu.barrier barrier_id(%barrier3A_32)
    %mul3A_33 = arith.constant 640 : i32
    %mul3A_34 = arith.muli %arg1, %mul3A_33 : i32
    %mul3A_35 = arith.constant 640 : i32
    %mul3A_36 = arith.muli %arg1, %mul3A_35 : i32
    "tpu.region"() ({
      %run_scoped3A = tpu.sem_alloc : memref<!tpu.dma_semaphore, #tpu.memory_space<semaphore_mem>>
      %dma_start3A = arith.constant 0 : i32
      %dma_start3A_37 = tpu.memref_slice %arg6[%arg0, %mul3A_36, %dma_start3A] : memref<2x10240x16xf32, #tpu.memory_space<hbm>> -> memref<1x640x16xf32, #tpu.memory_space<hbm>>
      %dma_start3A_38 = tpu.memref_squeeze %dma_start3A_37 : memref<1x640x16xf32, #tpu.memory_space<hbm>> -> memref<640x16xf32, #tpu.memory_space<hbm>>
      %dma_start3A_39 = arith.constant 0 : i32
      %dma_start3A_40 = tpu.memref_slice %arg10[%mul3A_34, %dma_start3A_39] : memref<10240x16xf32, #tpu.memory_space<vmem_shared>> -> memref<640x16xf32, #tpu.memory_space<vmem_shared>>
      tpu.enqueue_dma source(%dma_start3A_40 : memref<640x16xf32, #tpu.memory_space<vmem_shared>>) target(%dma_start3A_38 : memref<640x16xf32, #tpu.memory_space<hbm>>) target_semaphore(%run_scoped3A : memref<!tpu.dma_semaphore, #tpu.memory_space<semaphore_mem>>)
      %dma_wait3A = arith.constant 0 : i32
      %dma_wait3A_41 = tpu.memref_slice %arg6[%arg0, %mul3A_36, %dma_wait3A] : memref<2x10240x16xf32, #tpu.memory_space<hbm>> -> memref<1x640x16xf32, #tpu.memory_space<hbm>>
      %dma_wait3A_42 = tpu.memref_squeeze %dma_wait3A_41 : memref<1x640x16xf32, #tpu.memory_space<hbm>> -> memref<640x16xf32, #tpu.memory_space<hbm>>
      %dma_wait3A_43 = arith.constant 0 : i32
      %dma_wait3A_44 = tpu.memref_slice %arg10[%mul3A_34, %dma_wait3A_43] : memref<10240x16xf32, #tpu.memory_space<vmem_shared>> -> memref<640x16xf32, #tpu.memory_space<vmem_shared>>
      tpu.wait_dma2 semaphore(%run_scoped3A : memref<!tpu.dma_semaphore, #tpu.memory_space<semaphore_mem>>) src(%dma_wait3A_44 : memref<640x16xf32, #tpu.memory_space<vmem_shared>>) dst(%dma_wait3A_42 : memref<640x16xf32, #tpu.memory_space<hbm>>)
      tpu.yield
    }) : () -> ()
    return
  }
}

module attributes {stable_mosaic.version = 14 : i64} {
  func.func @body(%arg0: i32, %arg1: memref<2000x256xf32, #tpu.memory_space<vmem>>, %arg2: memref<256x16xf32, #tpu.memory_space<vmem>>, %arg3: memref<2000x16xf32, #tpu.memory_space<vmem>>) attributes {dimension_semantics = [#tpu.dimension_semantics<arbitrary>], iteration_bounds = array<i64: 5>, scalar_prefetch = 0 : i64, scratch_operands = 0 : i64, tpu.core_type = #tpu.core_type<tc>, window_params = [{transform_indices = @transform_0, window_bounds = array<i64: 2000, 256>}, {pipeline_mode = #tpu.pipeline_mode<synchronous>, transform_indices = @transform_1, window_bounds = array<i64: 256, 16>}, {transform_indices = @transform_2, window_bounds = array<i64: 2000, 16>}]} {
    %get3A = arith.constant 0 : index
    %get3A_0 = arith.constant 0 : index
    %get3A_1 = vector.load %arg1[%get3A, %get3A_0] : memref<2000x256xf32, #tpu.memory_space<vmem>>, vector<2000x256xf32>
    %get3A_2 = arith.constant 0 : index
    %get3A_3 = arith.constant 0 : index
    %get3A_4 = vector.load %arg2[%get3A_2, %get3A_3] : memref<256x16xf32, #tpu.memory_space<vmem>>, vector<256x16xf32>
    %dot_general3A = arith.constant dense<0.000000e+00> : vector<2000x16xf32>
    %dot_general3A_5 = tpu.matmul %get3A_1, %get3A_4, %dot_general3A {dimension_numbers = #tpu.dot_dimension_numbers<[1], [0], [0], [1], [0, 0, 1, 1], [], []>, transpose_lhs_hint = false} : vector<2000x256xf32>, vector<256x16xf32>, vector<2000x16xf32> -> vector<2000x16xf32>
    %swap3A = arith.constant 0 : index
    %swap3A_6 = arith.constant 0 : index
    %swap3A_7 = vector.load %arg3[%swap3A, %swap3A_6] : memref<2000x16xf32, #tpu.memory_space<vmem>>, vector<2000x16xf32>
    tpu.vector_store %arg3[%swap3A, %swap3A_6], %dot_general3A_5 {strides = array<i32>} : memref<2000x16xf32, #tpu.memory_space<vmem>>, vector<2000x16xf32>,
    return
  }
  func.func @transform_0(%arg0: i32) -> (i32, i32) {
    %c0_i32 = arith.constant 0 : i32
    %c0_i32_0 = arith.constant 0 : i32
    return %arg0, %c0_i32 : i32, i32
  }
  func.func @transform_1(%arg0: i32) -> (i32, i32) {
    %c0_i32 = arith.constant 0 : i32
    %c0_i32_0 = arith.constant 0 : i32
    %c0_i32_1 = arith.constant 0 : i32
    return %c0_i32, %c0_i32_0 : i32, i32
  }
  func.func @transform_2(%arg0: i32) -> (i32, i32) {
    %c0_i32 = arith.constant 0 : i32
    %c0_i32_0 = arith.constant 0 : i32
    return %arg0, %c0_i32 : i32, i32
  }
}

module attributes {stable_mosaic.version = 14 : i64} {
  func.func @body(%arg0: i32, %arg1: memref<2000x16xf32, #tpu.memory_space<vmem>>, %arg2: memref<2000x1xf32, #tpu.memory_space<vmem>>, %arg3: memref<2000x1xf32, #tpu.memory_space<vmem>>, %arg4: memref<2000x16xf32, #tpu.memory_space<vmem>>, %arg5: memref<2000x1xf32, #tpu.memory_space<vmem>>) attributes {dimension_semantics = [#tpu.dimension_semantics<arbitrary>], iteration_bounds = array<i64: 5>, scalar_prefetch = 0 : i64, scratch_operands = 0 : i64, tpu.core_type = #tpu.core_type<tc>, window_params = [{transform_indices = @transform_0, window_bounds = array<i64: 2000, 16>}, {transform_indices = @transform_1, window_bounds = array<i64: 2000, 1>}, {transform_indices = @transform_2, window_bounds = array<i64: 2000, 1>}, {transform_indices = @transform_3, window_bounds = array<i64: 2000, 16>}, {transform_indices = @transform_4, window_bounds = array<i64: 2000, 1>}]} {
    %get3A = arith.constant 0 : index
    %get3A_0 = arith.constant 0 : index
    %get3A_1 = vector.load %arg2[%get3A, %get3A_0] : memref<2000x1xf32, #tpu.memory_space<vmem>>, vector<2000x1xf32>
    %get3A_2 = arith.constant 0 : index
    %get3A_3 = arith.constant 0 : index
    %get3A_4 = vector.load %arg3[%get3A_2, %get3A_3] : memref<2000x1xf32, #tpu.memory_space<vmem>>, vector<2000x1xf32>
    %add3A = arith.addf %get3A_1, %get3A_4 : vector<2000x1xf32>
    %add3A_5 = arith.constant 1.000000e+00 : f32
    %add3A_6 = vector.broadcast %add3A_5 : f32 to vector<2000x1xf32>
    %add3A_7 = arith.addf %add3A, %add3A_6 : vector<2000x1xf32>
    %rsqrt3A = math.rsqrt %add3A_7 : vector<2000x1xf32>
    %get3A_8 = arith.constant 0 : index
    %get3A_9 = arith.constant 0 : index
    %get3A_10 = vector.load %arg1[%get3A_8, %get3A_9] : memref<2000x16xf32, #tpu.memory_space<vmem>>, vector<2000x16xf32>
    %mul3A = vector.broadcast %rsqrt3A : vector<2000x1xf32> to vector<2000x16xf32>
    %mul3A_11 = arith.mulf %get3A_10, %mul3A : vector<2000x16xf32>
    %swap3A = arith.constant 0 : index
    %swap3A_12 = arith.constant 0 : index
    %swap3A_13 = vector.load %arg4[%swap3A, %swap3A_12] : memref<2000x16xf32, #tpu.memory_space<vmem>>, vector<2000x16xf32>
    tpu.vector_store %arg4[%swap3A, %swap3A_12], %mul3A_11 {strides = array<i32>} : memref<2000x16xf32, #tpu.memory_space<vmem>>, vector<2000x16xf32>,
    %swap3A_14 = arith.constant 0 : index
    %swap3A_15 = arith.constant 0 : index
    %swap3A_16 = vector.load %arg5[%swap3A_14, %swap3A_15] : memref<2000x1xf32, #tpu.memory_space<vmem>>, vector<2000x1xf32>
    tpu.vector_store %arg5[%swap3A_14, %swap3A_15], %rsqrt3A {strides = array<i32>} : memref<2000x1xf32, #tpu.memory_space<vmem>>, vector<2000x1xf32>,
    return
  }
  func.func @transform_0(%arg0: i32) -> (i32, i32) {
    %c0_i32 = arith.constant 0 : i32
    %c0_i32_0 = arith.constant 0 : i32
    return %arg0, %c0_i32 : i32, i32
  }
  func.func @transform_1(%arg0: i32) -> (i32, i32) {
    %c0_i32 = arith.constant 0 : i32
    %c0_i32_0 = arith.constant 0 : i32
    return %arg0, %c0_i32 : i32, i32
  }
  func.func @transform_2(%arg0: i32) -> (i32, i32) {
    %c0_i32 = arith.constant 0 : i32
    %c0_i32_0 = arith.constant 0 : i32
    return %arg0, %c0_i32 : i32, i32
  }
  func.func @transform_3(%arg0: i32) -> (i32, i32) {
    %c0_i32 = arith.constant 0 : i32
    %c0_i32_0 = arith.constant 0 : i32
    return %arg0, %c0_i32 : i32, i32
  }
  func.func @transform_4(%arg0: i32) -> (i32, i32) {
    %c0_i32 = arith.constant 0 : i32
    %c0_i32_0 = arith.constant 0 : i32
    return %arg0, %c0_i32 : i32, i32
  }
}

module attributes {stable_mosaic.version = 14 : i64} {
  func.func @body(%arg0: i32, %arg1: memref<2000x16xf32, #tpu.memory_space<vmem>>, %arg2: memref<2000x16xf32, #tpu.memory_space<vmem>>, %arg3: memref<2000x16xf32, #tpu.memory_space<vmem>>, %arg4: memref<2000x1xf32, #tpu.memory_space<vmem>>, %arg5: memref<1x16xf32, #tpu.memory_space<vmem>>, %arg6: memref<2000x16xf32, #tpu.memory_space<vmem>>) attributes {dimension_semantics = [#tpu.dimension_semantics<arbitrary>], iteration_bounds = array<i64: 5>, scalar_prefetch = 0 : i64, scratch_operands = 0 : i64, tpu.core_type = #tpu.core_type<tc>, window_params = [{transform_indices = @transform_0, window_bounds = array<i64: 2000, 16>}, {transform_indices = @transform_1, window_bounds = array<i64: 2000, 16>}, {transform_indices = @transform_2, window_bounds = array<i64: 2000, 16>}, {transform_indices = @transform_3, window_bounds = array<i64: 2000, 1>}, {pipeline_mode = #tpu.pipeline_mode<synchronous>, transform_indices = @transform_4, window_bounds = array<i64: 1, 16>}, {transform_indices = @transform_5, window_bounds = array<i64: 2000, 16>}]} {
    %get3A = arith.constant 0 : index
    %get3A_0 = arith.constant 0 : index
    %get3A_1 = vector.load %arg4[%get3A, %get3A_0] : memref<2000x1xf32, #tpu.memory_space<vmem>>, vector<2000x1xf32>
    %get3A_2 = arith.constant 0 : index
    %get3A_3 = arith.constant 0 : index
    %get3A_4 = vector.load %arg1[%get3A_2, %get3A_3] : memref<2000x16xf32, #tpu.memory_space<vmem>>, vector<2000x16xf32>
    %get3A_5 = arith.constant 0 : index
    %get3A_6 = arith.constant 0 : index
    %get3A_7 = vector.load %arg2[%get3A_5, %get3A_6] : memref<2000x16xf32, #tpu.memory_space<vmem>>, vector<2000x16xf32>
    %add3A = arith.addf %get3A_4, %get3A_7 : vector<2000x16xf32>
    %get3A_8 = arith.constant 0 : index
    %get3A_9 = arith.constant 0 : index
    %get3A_10 = vector.load %arg3[%get3A_8, %get3A_9] : memref<2000x16xf32, #tpu.memory_space<vmem>>, vector<2000x16xf32>
    %add3A_11 = arith.addf %add3A, %get3A_10 : vector<2000x16xf32>
    %mul3A = vector.broadcast %get3A_1 : vector<2000x1xf32> to vector<2000x16xf32>
    %mul3A_12 = arith.mulf %mul3A, %add3A_11 : vector<2000x16xf32>
    %get3A_13 = arith.constant 0 : index
    %get3A_14 = arith.constant 0 : index
    %get3A_15 = vector.load %arg5[%get3A_13, %get3A_14] : memref<1x16xf32, #tpu.memory_space<vmem>>, vector<1x16xf32>
    %add3A_16 = vector.broadcast %get3A_15 : vector<1x16xf32> to vector<2000x16xf32>
    %add3A_17 = arith.addf %mul3A_12, %add3A_16 : vector<2000x16xf32>
    %max3A = arith.constant 0.000000e+00 : f32
    %max3A_18 = vector.broadcast %max3A : f32 to vector<2000x16xf32>
    %max3A_19 = arith.maximumf %add3A_17, %max3A_18 : vector<2000x16xf32>
    %mul3A_20 = vector.broadcast %get3A_1 : vector<2000x1xf32> to vector<2000x16xf32>
    %mul3A_21 = arith.mulf %max3A_19, %mul3A_20 : vector<2000x16xf32>
    %swap3A = arith.constant 0 : index
    %swap3A_22 = arith.constant 0 : index
    %swap3A_23 = vector.load %arg6[%swap3A, %swap3A_22] : memref<2000x16xf32, #tpu.memory_space<vmem>>, vector<2000x16xf32>
    tpu.vector_store %arg6[%swap3A, %swap3A_22], %mul3A_21 {strides = array<i32>} : memref<2000x16xf32, #tpu.memory_space<vmem>>, vector<2000x16xf32>,
    return
  }
  func.func @transform_0(%arg0: i32) -> (i32, i32) {
    %c0_i32 = arith.constant 0 : i32
    %c0_i32_0 = arith.constant 0 : i32
    return %arg0, %c0_i32 : i32, i32
  }
  func.func @transform_1(%arg0: i32) -> (i32, i32) {
    %c0_i32 = arith.constant 0 : i32
    %c0_i32_0 = arith.constant 0 : i32
    return %arg0, %c0_i32 : i32, i32
  }
  func.func @transform_2(%arg0: i32) -> (i32, i32) {
    %c0_i32 = arith.constant 0 : i32
    %c0_i32_0 = arith.constant 0 : i32
    return %arg0, %c0_i32 : i32, i32
  }
  func.func @transform_3(%arg0: i32) -> (i32, i32) {
    %c0_i32 = arith.constant 0 : i32
    %c0_i32_0 = arith.constant 0 : i32
    return %arg0, %c0_i32 : i32, i32
  }
  func.func @transform_4(%arg0: i32) -> (i32, i32) {
    %c0_i32 = arith.constant 0 : i32
    %c0_i32_0 = arith.constant 0 : i32
    %c0_i32_1 = arith.constant 0 : i32
    return %c0_i32, %c0_i32_0 : i32, i32
  }
  func.func @transform_5(%arg0: i32) -> (i32, i32) {
    %c0_i32 = arith.constant 0 : i32
    %c0_i32_0 = arith.constant 0 : i32
    return %arg0, %c0_i32 : i32, i32
  }
}

module attributes {stable_mosaic.version = 14 : i64} {
  func.func @body(%arg0: i32, %arg1: memref<2000x16xf32, #tpu.memory_space<vmem>>, %arg2: memref<2000x16xf32, #tpu.memory_space<vmem>>, %arg3: memref<2000x16xf32, #tpu.memory_space<vmem>>, %arg4: memref<2000x1xf32, #tpu.memory_space<vmem>>, %arg5: memref<16x40xf32, #tpu.memory_space<vmem>>, %arg6: memref<1x40xf32, #tpu.memory_space<vmem>>, %arg7: memref<2000x40xf32, #tpu.memory_space<vmem>>) attributes {dimension_semantics = [#tpu.dimension_semantics<arbitrary>], iteration_bounds = array<i64: 5>, scalar_prefetch = 0 : i64, scratch_operands = 0 : i64, tpu.core_type = #tpu.core_type<tc>, window_params = [{transform_indices = @transform_0, window_bounds = array<i64: 2000, 16>}, {transform_indices = @transform_1, window_bounds = array<i64: 2000, 16>}, {transform_indices = @transform_2, window_bounds = array<i64: 2000, 16>}, {transform_indices = @transform_3, window_bounds = array<i64: 2000, 1>}, {pipeline_mode = #tpu.pipeline_mode<synchronous>, transform_indices = @transform_4, window_bounds = array<i64: 16, 40>}, {pipeline_mode = #tpu.pipeline_mode<synchronous>, transform_indices = @transform_5, window_bounds = array<i64: 1, 40>}, {transform_indices = @transform_6, window_bounds = array<i64: 2000, 40>}]} {
    %get3A = arith.constant 0 : index
    %get3A_0 = arith.constant 0 : index
    %get3A_1 = vector.load %arg4[%get3A, %get3A_0] : memref<2000x1xf32, #tpu.memory_space<vmem>>, vector<2000x1xf32>
    %get3A_2 = arith.constant 0 : index
    %get3A_3 = arith.constant 0 : index
    %get3A_4 = vector.load %arg1[%get3A_2, %get3A_3] : memref<2000x16xf32, #tpu.memory_space<vmem>>, vector<2000x16xf32>
    %get3A_5 = arith.constant 0 : index
    %get3A_6 = arith.constant 0 : index
    %get3A_7 = vector.load %arg2[%get3A_5, %get3A_6] : memref<2000x16xf32, #tpu.memory_space<vmem>>, vector<2000x16xf32>
    %add3A = arith.addf %get3A_4, %get3A_7 : vector<2000x16xf32>
    %get3A_8 = arith.constant 0 : index
    %get3A_9 = arith.constant 0 : index
    %get3A_10 = vector.load %arg3[%get3A_8, %get3A_9] : memref<2000x16xf32, #tpu.memory_space<vmem>>, vector<2000x16xf32>
    %add3A_11 = arith.addf %add3A, %get3A_10 : vector<2000x16xf32>
    %mul3A = vector.broadcast %get3A_1 : vector<2000x1xf32> to vector<2000x16xf32>
    %mul3A_12 = arith.mulf %mul3A, %add3A_11 : vector<2000x16xf32>
    %get3A_13 = arith.constant 0 : index
    %get3A_14 = arith.constant 0 : index
    %get3A_15 = vector.load %arg5[%get3A_13, %get3A_14] : memref<16x40xf32, #tpu.memory_space<vmem>>, vector<16x40xf32>
    %dot_general3A = arith.constant dense<0.000000e+00> : vector<2000x40xf32>
    %dot_general3A_16 = tpu.matmul %mul3A_12, %get3A_15, %dot_general3A {dimension_numbers = #tpu.dot_dimension_numbers<[1], [0], [0], [1], [0, 0, 1, 1], [], []>, transpose_lhs_hint = false} : vector<2000x16xf32>, vector<16x40xf32>, vector<2000x40xf32> -> vector<2000x40xf32>
    %get3A_17 = arith.constant 0 : index
    %get3A_18 = arith.constant 0 : index
    %get3A_19 = vector.load %arg6[%get3A_17, %get3A_18] : memref<1x40xf32, #tpu.memory_space<vmem>>, vector<1x40xf32>
    %add3A_20 = vector.broadcast %get3A_19 : vector<1x40xf32> to vector<2000x40xf32>
    %add3A_21 = arith.addf %dot_general3A_16, %add3A_20 : vector<2000x40xf32>
    %reduce_max3A = arith.constant dense<0xFF800000> : vector<2000xf32>
    %reduce_max3A_22 = vector.multi_reduction <maximumf>, %add3A_21, %reduce_max3A [1] : vector<2000x40xf32> to vector<2000xf32>
    %broadcast_in_dim3A = vector.shape_cast %reduce_max3A_22 : vector<2000xf32> to vector<2000x1xf32>
    %sub3A = vector.broadcast %broadcast_in_dim3A : vector<2000x1xf32> to vector<2000x40xf32>
    %sub3A_23 = arith.subf %add3A_21, %sub3A : vector<2000x40xf32>
    %exp3A = math.exp %sub3A_23 : vector<2000x40xf32>
    %reduce_sum3A = arith.constant dense<0.000000e+00> : vector<2000xf32>
    %reduce_sum3A_24 = vector.multi_reduction <add>, %exp3A, %reduce_sum3A [1] : vector<2000x40xf32> to vector<2000xf32>
    %broadcast_in_dim3A_25 = vector.shape_cast %reduce_sum3A_24 : vector<2000xf32> to vector<2000x1xf32>
    %log3A = math.log %broadcast_in_dim3A_25 : vector<2000x1xf32>
    %add3A_26 = arith.addf %log3A, %broadcast_in_dim3A : vector<2000x1xf32>
    %sub3A_27 = vector.broadcast %add3A_26 : vector<2000x1xf32> to vector<2000x40xf32>
    %sub3A_28 = arith.subf %add3A_21, %sub3A_27 : vector<2000x40xf32>
    %swap3A = arith.constant 0 : index
    %swap3A_29 = arith.constant 0 : index
    %swap3A_30 = vector.load %arg7[%swap3A, %swap3A_29] : memref<2000x40xf32, #tpu.memory_space<vmem>>, vector<2000x40xf32>
    tpu.vector_store %arg7[%swap3A, %swap3A_29], %sub3A_28 {strides = array<i32>} : memref<2000x40xf32, #tpu.memory_space<vmem>>, vector<2000x40xf32>,
    return
  }
  func.func @transform_0(%arg0: i32) -> (i32, i32) {
    %c0_i32 = arith.constant 0 : i32
    %c0_i32_0 = arith.constant 0 : i32
    return %arg0, %c0_i32 : i32, i32
  }
  func.func @transform_1(%arg0: i32) -> (i32, i32) {
    %c0_i32 = arith.constant 0 : i32
    %c0_i32_0 = arith.constant 0 : i32
    return %arg0, %c0_i32 : i32, i32
  }
  func.func @transform_2(%arg0: i32) -> (i32, i32) {
    %c0_i32 = arith.constant 0 : i32
    %c0_i32_0 = arith.constant 0 : i32
    return %arg0, %c0_i32 : i32, i32
  }
  func.func @transform_3(%arg0: i32) -> (i32, i32) {
    %c0_i32 = arith.constant 0 : i32
    %c0_i32_0 = arith.constant 0 : i32
    return %arg0, %c0_i32 : i32, i32
  }
  func.func @transform_4(%arg0: i32) -> (i32, i32) {
    %c0_i32 = arith.constant 0 : i32
    %c0_i32_0 = arith.constant 0 : i32
    %c0_i32_1 = arith.constant 0 : i32
    return %c0_i32, %c0_i32_0 : i32, i32
  }
  func.func @transform_5(%arg0: i32) -> (i32, i32) {
    %c0_i32 = arith.constant 0 : i32
    %c0_i32_0 = arith.constant 0 : i32
    %c0_i32_1 = arith.constant 0 : i32
    return %c0_i32, %c0_i32_0 : i32, i32
  }
  func.func @transform_6(%arg0: i32) -> (i32, i32) {
    %c0_i32 = arith.constant 0 : i32
    %c0_i32_0 = arith.constant 0 : i32
    return %arg0, %c0_i32 : i32, i32
  }
}

</mosaic_0001>

<sc_bundles>
// kernel: kernel.12.cloned.1.call-start
scs
__scs_entry_jumppad:
0x0: {  	(pc) =	sbr.rel $0x88, $3  }
0x1: {  	(tag) =	ssettag $0x0;
	lr =	simm.s32 $0x1  }
0x2: {  	[smem:$0x3F9B] =	sst lr;
	_ =	strace $0xD0000000  }
0x3: {  	_ = 	snop  }
0x4: {  	_ = 	snop  }
0x5: {  	_ = 	snop  }
0x6: {  	_ = 	snop  }
0x7: {  	_ = 	snop  }
__scs_overlays_trampoline_lowered:
0x8: {  	[smem:$0x3FAA] =	sst s0  }
0x9: {  	[smem:$0x3FAB] =	sst s1  }
0xa: {  	[smem:$0x3FAC] =	sst s2  }
0xb: {  	[smem:$0x3FAD] =	sst s3  }
0xc: {  	[smem:$0x3FAE] =	sst s4  }
0xd: {  	[smem:$0x3FAF] =	sst s5  }
0xe: {  	[smem:$0x3FB0] =	sst s6  }
0xf: {  	[smem:$0x3FB1] =	sst s7  }
0x10: {  	[smem:$0x3FB2] =	sst s8  }
0x11: {  	[smem:$0x3FB3] =	sst s9;
	s0 =	simm.s32 @!p0 $0x0  }
0x12: {  	s1 =	sld [smem:$0x3F99];
	s0 =	simm.s32 @p0 $0x1  }
0x13: {  	[smem:$0x3FB4] =	sst s0;
	s0 =	simm.s32 @!p1 $0x0  }
0x14: {  	s2 =	sld [smem:$0x3F98];
	s0 =	simm.s32 @p1 $0x1  }
0x15: {  	[smem:$0x3FB5] =	sst s0;
	s0 =	simm.s32 @!p2 $0x0  }
0x16: {  	s3 =	sld [smem:$0x3FDB];
	s0 =	simm.s32 @p2 $0x1  }
0x17: {  	s4 =	simm.s32 $0x1BF5;
	[smem:$0x3FB7] =	sst s0  }
0x18: {  	s0 =	sld [smem:$0x3F9A];
	_ =	swait.ge [sflag:s4], $0x0  }
0x19: {  	s7 =	sld [smem:$0x3F9B]  }
0x1a: {  	s8 =	sadd.s32 $0xFFFFE003, lr  }
0x1b: {  	s9 =	sadd.s32 $0xFFFFFEF7, lr;
	s5 =	simm.s32 $0xFFFFFFFF;
	p2 =	slt.u32 s8, $0xFFFFF086  }
0x1c: {  	p1 =	slt.u32 s9, $0xF7A;
	s5 =	simm.s32 @!p2 $0x0  }
0x1d: {  	s5 =	simm.s32 @p1 $0x1;
	p0 =	seq.s32 s7, s2  }
0x1e: {  	s7 =	smul.u32 @!p0 $0xF7A, s2;
	p2 =	seq.s32 @!p0 s5, $0x0  }
0x1f: {  	s9 =	smul.u32 $0xF7A, s1;
	s8 =	simm.s32 @!p0 $0x1BF5;
	p2 =	por !p2, p0  }
0x20: {  	[sflag:s8] =	ssyncset.s32 @!p0 $0xFFFFF086;
	s6 =	sadd.s32 @!p0 s3, s7;
	s7 =	simm.s32 @!p0 $0x108  }
0x21: {  	s3 =	sadd.s32 s3, s9;
	s6 =	sadd.s32 @!p0 $0x88, s6;
	s7 =	simm.s32 @p2 $0x1082  }
0x22: {  	[simem:s7], [sflag:s8] =	dma.local @!p0 [hbm:s6], $0xF7A  }
0x23: {  	s9 =	sor.u32 $0xD0000000, s2;
	s6 =	simm.s32 $0x108;
	_ =	swait.ge @!p0 [sflag:s8], $0x0  }
0x24: {  	s3 =	sadd.s32 $0x88, s3;
	s6 =	simm.s32 @!p1 $0x1082;
	[sflag:s4] =	ssyncset.s32 $0xFFFFF086  }
0x25: {  	[simem:s6], [sflag:s4] =	dma.local [hbm:s3], $0xF7A  }
0x26: {  	[smem:$0x3F9B] =	sst s1;
	(tag) =	ssettag s2;
	_ =	strace s9  }
0x27: {  	s1 =	sld [smem:$0x3FAB]  }
0x28: {  	s2 =	sld [smem:$0x3FAC]  }
0x29: {  	s4 =	sld [smem:$0x3FAE]  }
0x2a: {  	p0 =	seq.s32 s5, $0x0;
	s5 =	sld [smem:$0x3FAF]  }
0x2b: {  	s6 =	sld [smem:$0x3FB0]  }
0x2c: {  	s7 =	sld [smem:$0x3FB1]  }
0x2d: {  	s3 =	simm.s32 $0x108;
	s8 =	sld [smem:$0x3FB2]  }
0x2e: {  	s3 =	simm.s32 @!p0 $0x1082;
	s9 =	sld [smem:$0x3FB3]  }
0x2f: {  	lr =	sadd.s32 s0, s3;
	s0 =	sld [smem:$0x3FAA]  }
0x30: {  	s3 =	sld [smem:$0x3FAD]  }
0x31: {  	[smem:$0x3FB6] =	sst s10  }
0x32: {  	s10 =	sld [smem:$0x3FB4];
	_ =	sdelay $0x3  }
0x33: {  	p0 =	seq.s32 s10, $0x1;
	s10 =	sld [smem:$0x3FB6];
	_ =	sdelay $0x3  }
0x34: {  	[smem:$0x3FB6] =	sst s10  }
0x35: {  	s10 =	sld [smem:$0x3FB5];
	_ =	sdelay $0x3  }
0x36: {  	p1 =	seq.s32 s10, $0x1;
	s10 =	sld [smem:$0x3FB6];
	_ =	sdelay $0x3  }
0x37: {  	[smem:$0x3FB6] =	sst s10  }
0x38: {  	s10 =	sld [smem:$0x3FB7]  }
0x39: {  	_ = 	snop;
	(pc) =	sbr.ind lr, $3  }
0x3a: {  	_ = 	snop  }
0x3b: {  	_ = 	snop  }
0x3c: {  	p2 =	seq.s32 s10, $0x1;
	s10 =	sld [smem:$0x3FB6]  }
0x3d: {  	_ =	shalt  }
0x3e: {  	_ =	shalt  }
0x3f: {  	_ =	shalt  }
0x40: {  	_ =	shalt  }
0x41: {  	_ =	shalt  }
0x42: {  	_ =	shalt  }
0x43: {  	_ =	shalt  }
0x44: {  	_ =	shalt  }
0x45: {  	_ =	shalt  }
0x46: {  	_ =	shalt  }
0x47: {  	_ =	shalt  }
0x48: {  	_ =	shalt  }
0x49: {  	_ =	shalt  }
0x4a: {  	_ =	shalt  }
0x4b: {  	_ =	shalt  }
0x4c: {  	_ =	shalt  }
0x4d: {  	_ =	shalt  }
0x4e: {  	_ =	shalt  }
0x4f: {  	_ =	shalt  }
0x50: {  	_ =	shalt  }
0x51: {  	_ =	shalt  }
0x52: {  	_ =	shalt  }
0x53: {  	_ =	shalt  }
0x54: {  	_ =	shalt  }
0x55: {  	_ =	shalt  }
0x56: {  	_ =	shalt  }
0x57: {  	_ =	shalt  }
0x58: {  	_ =	shalt  }
0x59: {  	_ =	shalt  }
0x5a: {  	_ =	shalt  }
0x5b: {  	_ =	shalt  }
0x5c: {  	_ =	shalt  }
0x5d: {  	_ =	shalt  }
0x5e: {  	_ =	shalt  }
0x5f: {  	_ =	shalt  }
0x60: {  	_ =	shalt  }
0x61: {  	_ =	shalt  }
0x62: {  	_ =	shalt  }
0x63: {  	_ =	shalt  }
0x64: {  	_ =	shalt  }
0x65: {  	_ =	shalt  }
0x66: {  	_ =	shalt  }
0x67: {  	_ =	shalt  }
0x68: {  	_ =	shalt  }
0x69: {  	_ =	shalt  }
0x6a: {  	_ =	shalt  }
0x6b: {  	_ =	shalt  }
0x6c: {  	_ =	shalt  }
0x6d: {  	_ =	shalt  }
0x6e: {  	_ =	shalt  }
0x6f: {  	_ =	shalt  }
0x70: {  	_ =	shalt  }
0x71: {  	_ =	shalt  }
0x72: {  	_ =	shalt  }
0x73: {  	_ =	shalt  }
0x74: {  	_ =	shalt  }
0x75: {  	_ =	shalt  }
0x76: {  	_ =	shalt  }
0x77: {  	_ =	shalt  }
0x78: {  	_ =	shalt  }
0x79: {  	_ =	shalt  }
0x7a: {  	_ =	shalt  }
0x7b: {  	_ =	shalt  }
0x7c: {  	_ =	shalt  }
0x7d: {  	_ =	shalt  }
0x7e: {  	_ =	shalt  }
0x7f: {  	_ =	shalt  }
0x80: {  	_ =	shalt  }
0x81: {  	_ =	shalt  }
0x82: {  	_ =	shalt  }
0x83: {  	_ =	shalt  }
0x84: {  	_ =	shalt  }
0x85: {  	_ =	shalt  }
0x86: {  	_ =	shalt  }
0x87: {  	_ =	shalt  }
.Lfunc_end0:
.L_simem_size_0:
called_computation.1_lowered:
.L_overlay_start_0:
0x88: {  	s2 =	sld [smem:$0x3FD9]  }
0x89: {  	s3 =	sld [smem:$0x3FFE];
	_ =	sdelay $0x1  }
0x8a: {  	s1 =	srdreg.scid  }
0x8b: {  	s0 =	sand.u32 $0x1, s1  }
0x8c: {  	s17 =	sshll.u32 s0, $0xA;
	s2 =	sadd.s32 s3, s2  }
0x8d: {  	s2 =	sadd.s32 s2, s17  }
0x8e: {  	[smem:$0x3FC2] =	sst s2  }
0x8f: {  	_ = 	snop  }
0x90: {  	s2 =	sld [smem:$0x3FD0];
	(tm) =	ssettm $0x1  }
0x91: {  	s18 =	sld [smem:$0x3FFB];
	_ =	sdelay $0x3  }
0x92: {  	_ =	strace s18  }
0x93: {  	s3 =	sld [smem:$0x3FFC];
	_ =	sdelay $0x3  }
0x94: {  	_ =	strace s3  }
0x95: {  	s3 =	sld [smem:$0x3FFD];
	_ =	sdelay $0x3  }
0x96: {  	_ =	strace s3  }
0x97: {  	_ =	strace $0x8FFFFFFF  }
0x98: {  	s19 =	sld [smem:$0x3FDB];
	_ =	sdelay $0x1  }
0x99: {  	s4 =	simm.s32 $_scs_section_size  }
0x9a: {  	s5 =	simm.s32 $_size__tile_overlayer_lowered;
	s6 =	simm.s32 $_tile_overlayer_lowered  }
0x9b: {  	s22 =	simm.s32 $0x1BFF;
	s21 =	sshll.u32 s6, $0x1;
	s3 =	sadd.s32 s4, s19  }
0x9c: {  	s7 =	simm.s32 $0x0;
	s20 =	sshll.u32 s5, $0x1;
	s5 =	sadd.s32 s21, s3  }
0x9d: {  	[timem:s7], [sflag:s22] =	dma.local [hbm:s5], s20  }
0x9e: {  	_ =	swait.ge [sflag:s22], s20  }
0x9f: {  	s4 =	ssub.s32 $0x0, s20;
	[sflag:s22] =	ssyncset.done $0x0  }
0xa0: {  	[sflag:s22] =	ssyncadd.s32 s4;
	_ =	sdelay $0x1  }
0xa1: {  	s23 =	simm.s32 $0x1B8B  }
0xa2: {  	_ =	swait.ge [sflag:s23], $0x1  }
0xa3: {  	[sflag:s23] =	ssyncset.done $0x0  }
0xa4: {  	s25 =	simm.s32 $0x1B8E;
	s24 =	sld [smem:$0x3FFE];
	[sflag:s23] =	ssyncadd.s32 $0xFFFFFFFF  }
0xa5: {  	s26 =	simm.s32 $execute0_lowered;
	[smem:$0x3FD2] =	sst s25  }
0xa6: {  	s5 =	sshll.u32 s26, $0x1;
	_ =	strace $0x80000049;
	[dreg:$0x1] =	wrdreg $0xFFFFFFFF  }
0xa7: {  	s28 =	simm.s32 $_size_execute0_lowered;
	s3 =	sadd.s32 s3, s5;
	[dreg:$0x0] =	wrdreg $0x0  }
0xa8: {  	s5 =	sshll.u32 s28, $0x1;
	[dreg:$0x2] =	wrdreg s3  }
0xa9: {  	[dreg:$0x3] =	wrdreg s5  }
0xaa: {  	[dreg:$0x4] =	wrdreg $0xC0  }
0xab: {  	_ =	task [dreg:s7], $0x5FFFF  }
0xac: {  	[dreg:$0x1] =	wrdreg $0xFFFFFFFF  }
0xad: {  	[dreg:$0x0] =	wrdreg $0x60  }
0xae: {  	[dreg:$0x2] =	wrdreg s24  }
0xaf: {  	[dreg:$0x3] =	wrdreg s2  }
0xb0: {  	[dreg:$0x4] =	wrdreg $0x168000  }
0xb1: {  	[dreg:$0x5] =	wrdreg $0x9  }
0xb2: {  	_ =	task.clear_ibuf [dreg:s7], $0x6FFFF;
	_ =	strace $0x90000049  }
0xb3: {  	s29 =	simm.s32 $0x9;
	_ =	strace $0x8000004B  }
0xb4: {  	_ =	swait.ge [sflag:s29], $0x1  }
0xb5: {  	[sflag:s29] =	ssyncadd.s32 $0xFFFFFFFF  }
0xb6: {  	_ =	strace $0x9000004B  }
0xb7: {  	_ =	sfence  }
0xb8: {  	s30 =	sld [smem:$0x0];
	_ =	sdelay $0x2  }
0xb9: {  	s31 =	sshll.u32 s1, $0xD;
	s1 =	sshrl.u32 s1, $0x2  }
0xba: {  	s3 =	sand.u32 $0x4000, s31;
	s1 =	sadd.s32 s1, s30  }
0xbb: {  	s0 =	sor.u32 s3, s0;
	s1 =	sshll.u32 s1, $0x11  }
0xbc: {  	s0 =	sor.u32 s1, s0  }
0xbd: {  	s0 =	sadd.s32 $0x8F2B, s0  }
0xbe: {  	[sflag:s0] =	ssyncadd.remote.s32 $0x1  }
0xbf: {  	_ =	sfence.sel $0xFFFF  }
0xc0: {  	[dreg:$0x0] =	wrdreg $0xFFFFFFFF;
	(pc) =	sbr.abs _section_cstart, $3  }
0xc1: {  	[dreg:$0x1] =	wrdreg $0xFFFFFFFF  }
0xc2: {  	_ =	task.clear_ibuf [dreg:s7], $0x2FFFF;
	_ =	strace $0x9FFFFFFF  }
0xc3: {  	(tm) =	ssettm $0x7FFFFFFF  }
tec
execute0_lowered:
.L_overlay_start_1:
0x0: {  	(tag) =	ssettag $0x1  }
0x1: {  	s5 =	rddreg [dreg:$0x0]  }
0x2: {  	s1 =	srdreg.scid;
	s9 =	rddreg [dreg:$0x1]  }
0x3: {  	s0 =	stileid.u32;
	s2 =	rddreg [dreg:$0x2];
	s3 =	simm.s32 $0x0  }
0x4: {  	s14 =	simm.s32 $0x80;
	s15 =	simm.s32 $0x1;
	s16 =	simm.s32 $0x2  }
0x5: {  	s17 =	simm.s32 $0x0;
	s6 =	sand.u32 $0x1, s1;
	s1 =	rddreg [dreg:$0x3]  }
0x6: {  	s26 =	sshll.u32 s0, $0x1;
	[smem:$0x7FF] =	sst s3;
	s8 =	smul.u32 $0x2800, s0  }
0x7: {  	s30 =	sshll.u32 s0, $0x6;
	s4 =	sor.u32 s6, s26;
	_ =	strace $0x8000004A  }
0x8: {  	s11 =	ssub.s32 $0x2, s6;
	s12 =	smul.u32 $0x28000, s6;
	s6 =	sor.u32 $0x1C03, s30  }
0x9: {  	s7 =	smul.u32 $0x280, s4;
	s4 =	sadd.s32 $0x33600, s5;
	s29 =	sshrl.u32 s11, $0x1  }
0xa: {  	s28 =	sshrl.u32 s8, $0x3;
	s13 =	sadd.s32 s8, s2;
	s11 =	ssub.s32 s11, s29  }
0xb: {  	s12 =	sadd.s32 s8, s12;
	s10 =	sadd.s32 s7, s5;
	s5 =	sadd.s32 s28, s5  }
0xc: {  	s31 =	sshrl.u32 s12, $0x3;
	s12 =	simm.s32 $0x3;
	s5 =	sadd.s32 $0x38600, s5  }
0xd: {  	s7 =	sadd.s32 $0x7400, s10;
	s8 =	sadd.s32 $0x1C00, s10;
	s9 =	sadd.s32 s9, s31  }
0xe: {  	s10 =	smax.u32 s11, $0x1;
	s11 =	sshrl.u32 s13, $0x3;
	s13 =	simm.s32 $0x1400  }
.LBB2_1:
0xf: {  	[spmem:s11], [sflag:s6] =	dma.local [hbm:s5], $0x500  }
0x10: {  	_ =	swait.ge [sflag:s12], $0x500  }
0x11: {  	[sflag:s12] =	ssyncset.done $0x0  }
0x12: {  	[sflag:s12] =	ssyncadd.s32 $0xFFFFFB00  }
0x13: {  	[tilespmem:s3], [sflag:$0x3] =	stream.linear.gather [hbm4b:s7+s3], $0x1400, $0x38;
	[tilespmem:$0x19000] =	vst v63  }
0x14: {  	_ =	swait.ge [sflag:s12], $0x1400  }
0x15: {  	[sflag:s12] =	ssyncset.done $0x0  }
0x16: {  	[sflag:s12] =	ssyncadd.s32 $0xFFFFEC00  }
0x17: {  	[tilespmem:s13], [sflag:$0x3] =	stream.linear.gather [hbm4b:s8+s3], $0x1400, $0x38;
	[tilespmem:$0x19000] =	vst v63  }
0x18: {  	_ =	swait.ge [sflag:s12], $0x1400  }
0x19: {  	[sflag:s12] =	ssyncset.done $0x0  }
0x1a: {  	[sflag:s12] =	ssyncadd.s32 $0xFFFFEC00  }
0x1b: {  	s18 =	simm.s32 $0x2800;
	s19 =	simm.s32 $0x0;
	[bflag:$0x0] =	sbarrier.arrive $0xFFFF  }
.LBB2_2:
0x1c: {  	p0 =	sne.s32 s19, $0x4E00  }
.Ltmp0:
0x1d: {  	_ = 	snop;
	(pc) =	sbr.rel @p0 .LBB2_2-.Ltmp0, $4  }
0x1e: {  	_ = 	snop  }
0x1f: {  	s20 =	sshra.s32 s19, $0x2  }
0x20: {  	[tilespmem:s18], [sflag:$0x1] =	stream.indirect.gather [hbm4b:s4+s14], $0x10, s20, s14, $0xb8;
	[tilespmem:$0x19000] =	vst v63  }
0x21: {  	s19 =	sadd.s32 $0x200, s19;
	s18 =	sadd.s32 $0x800, s18  }
0x22: {  	s18 =	simm.s32 $0x28  }
.LBB2_4:
0x23: {  	p0 =	sne.s32 s18, $0x1  }
.Ltmp1:
0x24: {  	_ = 	snop;
	(pc) =	sbr.rel @p0 .LBB2_4-.Ltmp1, $4  }
0x25: {  	_ = 	snop  }
0x26: {  	_ =	swait.ge [sflag:s15], $0x800  }
0x27: {  	[sflag:s15] =	ssyncset.done $0x0  }
0x28: {  	s18 =	sadd.s32 $0xFFFFFFFF, s18;
	[sflag:s15] =	ssyncadd.s32 $0xFFFFF800  }
0x29: {  	s18 =	simm.s32 $0x0;
	s19 =	simm.s32 $0x2800  }
.LBB2_6:
0x2a: {  	p0 =	sne.s32 s18, $0x4E00  }
.Ltmp2:
0x2b: {  	_ = 	snop;
	(pc) =	sbr.rel @p0 .LBB2_6-.Ltmp2, $4  }
0x2c: {  	s20 =	sshra.s32 s18, $0x2  }
0x2d: {  	s20 =	sadd.s32 $0x1400, s20  }
0x2e: {  	[spmem:s2] =	stream.indirect.scatter.add.f32 [tilespmem:s19], [sflag:$0x2], $0x10, s20, s14, $0xb8;
	[tilespmem:$0x19000] =	vst v63  }
0x2f: {  	s18 =	sadd.s32 $0x200, s18;
	s19 =	sadd.s32 $0x800, s19  }
0x30: {  	_ =	swait.ge [sflag:s16], $0x800  }
0x31: {  	s18 =	simm.s32 $0x27;
	[sflag:s16] =	ssyncset.done $0x0  }
.LBB2_8:
0x32: {  	p0 =	sne.s32 s18, $0x1;
	s18 =	sadd.s32 $0xFFFFFFFF, s18;
	[sflag:s16] =	ssyncadd.s32 $0xFFFFF800  }
.Ltmp3:
0x33: {  	(pc) =	sbr.rel @p0 .LBB2_8-.Ltmp3, $3  }
0x34: {  	_ =	sdelay $0x1  }
0x35: {  	_ =	swait.ge [sflag:s16], $0x800  }
0x36: {  	[sflag:s16] =	ssyncset.done $0x0  }
0x37: {  	s17 =	sadd.s32 $0x1, s17  }
0x38: {  	[sflag:s16] =	ssyncadd.s32 $0xFFFFF800;
	p0 =	sne.s32 s17, s10  }
.Ltmp4:
0x39: {  	[bflag:$0x0] =	sbarrier.arrive $0xFFFF;
	(pc) =	sbr.rel @p0 .LBB2_1-.Ltmp4, $4  }
0x3a: {  	[hbm:s9], [sflag:s6] =	dma.local [spmem:s11], $0x500  }
0x3b: {  	_ =	swait.ge [sflag:s12], $0x500  }
0x3c: {  	[sflag:s12] =	ssyncset.done $0x0  }
0x3d: {  	[sflag:s12] =	ssyncadd.s32 $0xFFFFFB00  }
0x3e: {  	_ =	sfence.sel $0x180000  }
0x3f: {  	[bflag:$0x0] =	sbarrier.arrive $0xFFFF  }
0x40: {  	p0 =	sne.s32 s0, $0x0;
	_ =	strace $0x9000004A  }
0x41: {  	s0 =	sadd.s32 @!p0 $0x100000, s1;
	[bflag:$0x2] =	sbarrier.arrive $0xFFFF  }
0x42: {  	[sflag:s0] =	ssyncadd.tile.s32 @!p0 $0x1;
	_ =	shalt  }
.Lfunc_end2:
_tile_overlayer_lowered:
.L_overlay_start_2:
0x43: {  	(tag) =	ssettag $0x2  }
0x44: {  	s0 =	rddreg [dreg:$0x0];
	s2 =	stileid.u32  }
0x45: {  	s1 =	rddreg [dreg:$0x1];
	p0 =	sne.s32 s2, $0x0  }
0x46: {  	s3 =	rddreg [dreg:$0x2];
	[bflag:$0x3] =	sbarrier.arrive $0xFFFF;
	s2 =	simm.s32 @!p0 $0x1C03  }
0x47: {  	[timem:s3], [sflag:s2] =	dma.local @!p0 [hbm:s0], s1  }
0x48: {  	s0 =	simm.s32 @!p0 $0x3  }
0x49: {  	_ =	swait.ge @!p0 [sflag:s0], s1  }
0x4a: {  	s1 =	ssub.s32 @!p0 $0x0, s1;
	[sflag:s0] =	ssyncset.done @!p0 $0x0  }
0x4b: {  	[sflag:s0] =	ssyncadd.s32 @!p0 s1  }
0x4c: {  	[bflag:$0x3] =	sbarrier.arrive $0xFFFF  }
0x4d: {  	_ =	shalt  }

// kernel: kernel.15.cloned.1.call-start
scs
__scs_entry_jumppad:
0x0: {  	(pc) =	sbr.rel $0x88, $3  }
0x1: {  	(tag) =	ssettag $0x0;
	lr =	simm.s32 $0x1  }
0x2: {  	[smem:$0x3F9B] =	sst lr;
	_ =	strace $0xD0000000  }
0x3: {  	_ = 	snop  }
0x4: {  	_ = 	snop  }
0x5: {  	_ = 	snop  }
0x6: {  	_ = 	snop  }
0x7: {  	_ = 	snop  }
__scs_overlays_trampoline_lowered:
0x8: {  	[smem:$0x3FAA] =	sst s0  }
0x9: {  	[smem:$0x3FAB] =	sst s1  }
0xa: {  	[smem:$0x3FAC] =	sst s2  }
0xb: {  	[smem:$0x3FAD] =	sst s3  }
0xc: {  	[smem:$0x3FAE] =	sst s4  }
0xd: {  	[smem:$0x3FAF] =	sst s5  }
0xe: {  	[smem:$0x3FB0] =	sst s6  }
0xf: {  	[smem:$0x3FB1] =	sst s7  }
0x10: {  	[smem:$0x3FB2] =	sst s8  }
0x11: {  	[smem:$0x3FB3] =	sst s9;
	s0 =	simm.s32 @!p0 $0x0  }
0x12: {  	s1 =	sld [smem:$0x3F99];
	s0 =	simm.s32 @p0 $0x1  }
0x13: {  	[smem:$0x3FB4] =	sst s0;
	s0 =	simm.s32 @!p1 $0x0  }
0x14: {  	s2 =	sld [smem:$0x3F98];
	s0 =	simm.s32 @p1 $0x1  }
0x15: {  	[smem:$0x3FB5] =	sst s0;
	s0 =	simm.s32 @!p2 $0x0  }
0x16: {  	s3 =	sld [smem:$0x3FDB];
	s0 =	simm.s32 @p2 $0x1  }
0x17: {  	s4 =	simm.s32 $0x1BF5;
	[smem:$0x3FB7] =	sst s0  }
0x18: {  	s0 =	sld [smem:$0x3F9A];
	_ =	swait.ge [sflag:s4], $0x0  }
0x19: {  	s7 =	sld [smem:$0x3F9B]  }
0x1a: {  	s8 =	sadd.s32 $0xFFFFE003, lr  }
0x1b: {  	s9 =	sadd.s32 $0xFFFFFEF7, lr;
	s5 =	simm.s32 $0xFFFFFFFF;
	p2 =	slt.u32 s8, $0xFFFFF086  }
0x1c: {  	p1 =	slt.u32 s9, $0xF7A;
	s5 =	simm.s32 @!p2 $0x0  }
0x1d: {  	s5 =	simm.s32 @p1 $0x1;
	p0 =	seq.s32 s7, s2  }
0x1e: {  	s7 =	smul.u32 @!p0 $0xF7A, s2;
	p2 =	seq.s32 @!p0 s5, $0x0  }
0x1f: {  	s9 =	smul.u32 $0xF7A, s1;
	s8 =	simm.s32 @!p0 $0x1BF5;
	p2 =	por !p2, p0  }
0x20: {  	[sflag:s8] =	ssyncset.s32 @!p0 $0xFFFFF086;
	s6 =	sadd.s32 @!p0 s3, s7;
	s7 =	simm.s32 @!p0 $0x108  }
0x21: {  	s3 =	sadd.s32 s3, s9;
	s6 =	sadd.s32 @!p0 $0x88, s6;
	s7 =	simm.s32 @p2 $0x1082  }
0x22: {  	[simem:s7], [sflag:s8] =	dma.local @!p0 [hbm:s6], $0xF7A  }
0x23: {  	s9 =	sor.u32 $0xD0000000, s2;
	s6 =	simm.s32 $0x108;
	_ =	swait.ge @!p0 [sflag:s8], $0x0  }
0x24: {  	s3 =	sadd.s32 $0x88, s3;
	s6 =	simm.s32 @!p1 $0x1082;
	[sflag:s4] =	ssyncset.s32 $0xFFFFF086  }
0x25: {  	[simem:s6], [sflag:s4] =	dma.local [hbm:s3], $0xF7A  }
0x26: {  	[smem:$0x3F9B] =	sst s1;
	(tag) =	ssettag s2;
	_ =	strace s9  }
0x27: {  	s1 =	sld [smem:$0x3FAB]  }
0x28: {  	s2 =	sld [smem:$0x3FAC]  }
0x29: {  	s4 =	sld [smem:$0x3FAE]  }
0x2a: {  	p0 =	seq.s32 s5, $0x0;
	s5 =	sld [smem:$0x3FAF]  }
0x2b: {  	s6 =	sld [smem:$0x3FB0]  }
0x2c: {  	s7 =	sld [smem:$0x3FB1]  }
0x2d: {  	s3 =	simm.s32 $0x108;
	s8 =	sld [smem:$0x3FB2]  }
0x2e: {  	s3 =	simm.s32 @!p0 $0x1082;
	s9 =	sld [smem:$0x3FB3]  }
0x2f: {  	lr =	sadd.s32 s0, s3;
	s0 =	sld [smem:$0x3FAA]  }
0x30: {  	s3 =	sld [smem:$0x3FAD]  }
0x31: {  	[smem:$0x3FB6] =	sst s10  }
0x32: {  	s10 =	sld [smem:$0x3FB4];
	_ =	sdelay $0x3  }
0x33: {  	p0 =	seq.s32 s10, $0x1;
	s10 =	sld [smem:$0x3FB6];
	_ =	sdelay $0x3  }
0x34: {  	[smem:$0x3FB6] =	sst s10  }
0x35: {  	s10 =	sld [smem:$0x3FB5];
	_ =	sdelay $0x3  }
0x36: {  	p1 =	seq.s32 s10, $0x1;
	s10 =	sld [smem:$0x3FB6];
	_ =	sdelay $0x3  }
0x37: {  	[smem:$0x3FB6] =	sst s10  }
0x38: {  	s10 =	sld [smem:$0x3FB7]  }
0x39: {  	_ = 	snop;
	(pc) =	sbr.ind lr, $3  }
0x3a: {  	_ = 	snop  }
0x3b: {  	_ = 	snop  }
0x3c: {  	p2 =	seq.s32 s10, $0x1;
	s10 =	sld [smem:$0x3FB6]  }
0x3d: {  	_ =	shalt  }
0x3e: {  	_ =	shalt  }
0x3f: {  	_ =	shalt  }
0x40: {  	_ =	shalt  }
0x41: {  	_ =	shalt  }
0x42: {  	_ =	shalt  }
0x43: {  	_ =	shalt  }
0x44: {  	_ =	shalt  }
0x45: {  	_ =	shalt  }
0x46: {  	_ =	shalt  }
0x47: {  	_ =	shalt  }
0x48: {  	_ =	shalt  }
0x49: {  	_ =	shalt  }
0x4a: {  	_ =	shalt  }
0x4b: {  	_ =	shalt  }
0x4c: {  	_ =	shalt  }
0x4d: {  	_ =	shalt  }
0x4e: {  	_ =	shalt  }
0x4f: {  	_ =	shalt  }
0x50: {  	_ =	shalt  }
0x51: {  	_ =	shalt  }
0x52: {  	_ =	shalt  }
0x53: {  	_ =	shalt  }
0x54: {  	_ =	shalt  }
0x55: {  	_ =	shalt  }
0x56: {  	_ =	shalt  }
0x57: {  	_ =	shalt  }
0x58: {  	_ =	shalt  }
0x59: {  	_ =	shalt  }
0x5a: {  	_ =	shalt  }
0x5b: {  	_ =	shalt  }
0x5c: {  	_ =	shalt  }
0x5d: {  	_ =	shalt  }
0x5e: {  	_ =	shalt  }
0x5f: {  	_ =	shalt  }
0x60: {  	_ =	shalt  }
0x61: {  	_ =	shalt  }
0x62: {  	_ =	shalt  }
0x63: {  	_ =	shalt  }
0x64: {  	_ =	shalt  }
0x65: {  	_ =	shalt  }
0x66: {  	_ =	shalt  }
0x67: {  	_ =	shalt  }
0x68: {  	_ =	shalt  }
0x69: {  	_ =	shalt  }
0x6a: {  	_ =	shalt  }
0x6b: {  	_ =	shalt  }
0x6c: {  	_ =	shalt  }
0x6d: {  	_ =	shalt  }
0x6e: {  	_ =	shalt  }
0x6f: {  	_ =	shalt  }
0x70: {  	_ =	shalt  }
0x71: {  	_ =	shalt  }
0x72: {  	_ =	shalt  }
0x73: {  	_ =	shalt  }
0x74: {  	_ =	shalt  }
0x75: {  	_ =	shalt  }
0x76: {  	_ =	shalt  }
0x77: {  	_ =	shalt  }
0x78: {  	_ =	shalt  }
0x79: {  	_ =	shalt  }
0x7a: {  	_ =	shalt  }
0x7b: {  	_ =	shalt  }
0x7c: {  	_ =	shalt  }
0x7d: {  	_ =	shalt  }
0x7e: {  	_ =	shalt  }
0x7f: {  	_ =	shalt  }
0x80: {  	_ =	shalt  }
0x81: {  	_ =	shalt  }
0x82: {  	_ =	shalt  }
0x83: {  	_ =	shalt  }
0x84: {  	_ =	shalt  }
0x85: {  	_ =	shalt  }
0x86: {  	_ =	shalt  }
0x87: {  	_ =	shalt  }
.Lfunc_end0:
.L_simem_size_0:
called_computation.2_lowered:
.L_overlay_start_0:
0x88: {  	s2 =	sld [smem:$0x3FD9]  }
0x89: {  	s3 =	sld [smem:$0x3FFE];
	_ =	sdelay $0x1  }
0x8a: {  	s1 =	srdreg.scid  }
0x8b: {  	s0 =	sand.u32 $0x1, s1  }
0x8c: {  	s17 =	sshll.u32 s0, $0xA;
	s2 =	sadd.s32 s3, s2  }
0x8d: {  	s2 =	sadd.s32 s2, s17  }
0x8e: {  	[smem:$0x3FC2] =	sst s2  }
0x8f: {  	_ = 	snop  }
0x90: {  	s2 =	sld [smem:$0x3FD0];
	(tm) =	ssettm $0x1  }
0x91: {  	s18 =	sld [smem:$0x3FFB];
	_ =	sdelay $0x3  }
0x92: {  	_ =	strace s18  }
0x93: {  	s3 =	sld [smem:$0x3FFC];
	_ =	sdelay $0x3  }
0x94: {  	_ =	strace s3  }
0x95: {  	s3 =	sld [smem:$0x3FFD];
	_ =	sdelay $0x3  }
0x96: {  	_ =	strace s3  }
0x97: {  	_ =	strace $0x8FFFFFFF  }
0x98: {  	s19 =	sld [smem:$0x3FDB];
	_ =	sdelay $0x1  }
0x99: {  	s4 =	simm.s32 $_scs_section_size  }
0x9a: {  	s5 =	simm.s32 $_size__tile_overlayer_lowered;
	s6 =	simm.s32 $_tile_overlayer_lowered  }
0x9b: {  	s22 =	simm.s32 $0x1BFF;
	s21 =	sshll.u32 s6, $0x1;
	s3 =	sadd.s32 s4, s19  }
0x9c: {  	s7 =	simm.s32 $0x0;
	s20 =	sshll.u32 s5, $0x1;
	s5 =	sadd.s32 s21, s3  }
0x9d: {  	[timem:s7], [sflag:s22] =	dma.local [hbm:s5], s20  }
0x9e: {  	_ =	swait.ge [sflag:s22], s20  }
0x9f: {  	s4 =	ssub.s32 $0x0, s20;
	[sflag:s22] =	ssyncset.done $0x0  }
0xa0: {  	[sflag:s22] =	ssyncadd.s32 s4;
	_ =	sdelay $0x1  }
0xa1: {  	s23 =	simm.s32 $0x1B8B  }
0xa2: {  	_ =	swait.ge [sflag:s23], $0x1  }
0xa3: {  	[sflag:s23] =	ssyncset.done $0x0  }
0xa4: {  	s25 =	simm.s32 $0x1B8E;
	s24 =	sld [smem:$0x3FFE];
	[sflag:s23] =	ssyncadd.s32 $0xFFFFFFFF  }
0xa5: {  	s26 =	simm.s32 $execute0_lowered;
	[smem:$0x3FD2] =	sst s25  }
0xa6: {  	s5 =	sshll.u32 s26, $0x1;
	_ =	strace $0x8000004C;
	[dreg:$0x1] =	wrdreg $0xFFFFFFFF  }
0xa7: {  	s28 =	simm.s32 $_size_execute0_lowered;
	s3 =	sadd.s32 s3, s5;
	[dreg:$0x0] =	wrdreg $0x0  }
0xa8: {  	s5 =	sshll.u32 s28, $0x1;
	[dreg:$0x2] =	wrdreg s3  }
0xa9: {  	[dreg:$0x3] =	wrdreg s5  }
0xaa: {  	[dreg:$0x4] =	wrdreg $0xC0  }
0xab: {  	_ =	task [dreg:s7], $0x5FFFF  }
0xac: {  	[dreg:$0x1] =	wrdreg $0xFFFFFFFF  }
0xad: {  	[dreg:$0x0] =	wrdreg $0x60  }
0xae: {  	[dreg:$0x2] =	wrdreg s24  }
0xaf: {  	[dreg:$0x3] =	wrdreg s2  }
0xb0: {  	[dreg:$0x4] =	wrdreg $0x168000  }
0xb1: {  	[dreg:$0x5] =	wrdreg $0x9  }
0xb2: {  	_ =	task.clear_ibuf [dreg:s7], $0x6FFFF;
	_ =	strace $0x9000004C  }
0xb3: {  	s29 =	simm.s32 $0x9;
	_ =	strace $0x8000004E  }
0xb4: {  	_ =	swait.ge [sflag:s29], $0x1  }
0xb5: {  	[sflag:s29] =	ssyncadd.s32 $0xFFFFFFFF  }
0xb6: {  	_ =	strace $0x9000004E  }
0xb7: {  	_ =	sfence  }
0xb8: {  	s30 =	sld [smem:$0x0];
	_ =	sdelay $0x2  }
0xb9: {  	s31 =	sshll.u32 s1, $0xD;
	s1 =	sshrl.u32 s1, $0x2  }
0xba: {  	s3 =	sand.u32 $0x4000, s31;
	s1 =	sadd.s32 s1, s30  }
0xbb: {  	s0 =	sor.u32 s3, s0;
	s1 =	sshll.u32 s1, $0x11  }
0xbc: {  	s0 =	sor.u32 s1, s0  }
0xbd: {  	s0 =	sadd.s32 $0x8F2B, s0  }
0xbe: {  	[sflag:s0] =	ssyncadd.remote.s32 $0x1  }
0xbf: {  	_ =	sfence.sel $0xFFFF  }
0xc0: {  	[dreg:$0x0] =	wrdreg $0xFFFFFFFF;
	(pc) =	sbr.abs _section_cstart, $3  }
0xc1: {  	[dreg:$0x1] =	wrdreg $0xFFFFFFFF  }
0xc2: {  	_ =	task.clear_ibuf [dreg:s7], $0x2FFFF;
	_ =	strace $0x9FFFFFFF  }
0xc3: {  	(tm) =	ssettm $0x7FFFFFFF  }
tec
execute0_lowered:
.L_overlay_start_1:
0x0: {  	(tag) =	ssettag $0x1  }
0x1: {  	s5 =	rddreg [dreg:$0x0]  }
0x2: {  	s1 =	srdreg.scid;
	s9 =	rddreg [dreg:$0x1]  }
0x3: {  	s0 =	stileid.u32;
	s2 =	rddreg [dreg:$0x2];
	s3 =	simm.s32 $0x0  }
0x4: {  	s14 =	simm.s32 $0x80;
	s15 =	simm.s32 $0x1;
	s16 =	simm.s32 $0x2  }
0x5: {  	s17 =	simm.s32 $0x0;
	s6 =	sand.u32 $0x1, s1;
	s1 =	rddreg [dreg:$0x3]  }
0x6: {  	s26 =	sshll.u32 s0, $0x1;
	[smem:$0x7FF] =	sst s3;
	s8 =	smul.u32 $0x2800, s0  }
0x7: {  	s30 =	sshll.u32 s0, $0x6;
	s4 =	sor.u32 s6, s26;
	_ =	strace $0x8000004D  }
0x8: {  	s11 =	ssub.s32 $0x2, s6;
	s12 =	smul.u32 $0x28000, s6;
	s6 =	sor.u32 $0x1C03, s30  }
0x9: {  	s7 =	smul.u32 $0x280, s4;
	s4 =	sadd.s32 $0x33600, s5;
	s29 =	sshrl.u32 s11, $0x1  }
0xa: {  	s28 =	sshrl.u32 s8, $0x3;
	s13 =	sadd.s32 s8, s2;
	s11 =	ssub.s32 s11, s29  }
0xb: {  	s12 =	sadd.s32 s8, s12;
	s10 =	sadd.s32 s7, s5;
	s5 =	sadd.s32 s28, s5  }
0xc: {  	s31 =	sshrl.u32 s12, $0x3;
	s12 =	simm.s32 $0x3;
	s5 =	sadd.s32 $0x38600, s5  }
0xd: {  	s7 =	sadd.s32 $0x7400, s10;
	s8 =	sadd.s32 $0x1C00, s10;
	s9 =	sadd.s32 s9, s31  }
0xe: {  	s10 =	smax.u32 s11, $0x1;
	s11 =	sshrl.u32 s13, $0x3;
	s13 =	simm.s32 $0x1400  }
.LBB2_1:
0xf: {  	[spmem:s11], [sflag:s6] =	dma.local [hbm:s5], $0x500  }
0x10: {  	_ =	swait.ge [sflag:s12], $0x500  }
0x11: {  	[sflag:s12] =	ssyncset.done $0x0  }
0x12: {  	[sflag:s12] =	ssyncadd.s32 $0xFFFFFB00  }
0x13: {  	[tilespmem:s3], [sflag:$0x3] =	stream.linear.gather [hbm4b:s7+s3], $0x1400, $0x38;
	[tilespmem:$0x19000] =	vst v63  }
0x14: {  	_ =	swait.ge [sflag:s12], $0x1400  }
0x15: {  	[sflag:s12] =	ssyncset.done $0x0  }
0x16: {  	[sflag:s12] =	ssyncadd.s32 $0xFFFFEC00  }
0x17: {  	[tilespmem:s13], [sflag:$0x3] =	stream.linear.gather [hbm4b:s8+s3], $0x1400, $0x38;
	[tilespmem:$0x19000] =	vst v63  }
0x18: {  	_ =	swait.ge [sflag:s12], $0x1400  }
0x19: {  	[sflag:s12] =	ssyncset.done $0x0  }
0x1a: {  	[sflag:s12] =	ssyncadd.s32 $0xFFFFEC00  }
0x1b: {  	s18 =	simm.s32 $0x2800;
	s19 =	simm.s32 $0x0;
	[bflag:$0x0] =	sbarrier.arrive $0xFFFF  }
.LBB2_2:
0x1c: {  	p0 =	sne.s32 s19, $0x4E00  }
.Ltmp0:
0x1d: {  	_ = 	snop;
	(pc) =	sbr.rel @p0 .LBB2_2-.Ltmp0, $4  }
0x1e: {  	_ = 	snop  }
0x1f: {  	s20 =	sshra.s32 s19, $0x2  }
0x20: {  	[tilespmem:s18], [sflag:$0x1] =	stream.indirect.gather [hbm4b:s4+s14], $0x10, s20, s14, $0xb8;
	[tilespmem:$0x19000] =	vst v63  }
0x21: {  	s19 =	sadd.s32 $0x200, s19;
	s18 =	sadd.s32 $0x800, s18  }
0x22: {  	s18 =	simm.s32 $0x28  }
.LBB2_4:
0x23: {  	p0 =	sne.s32 s18, $0x1  }
.Ltmp1:
0x24: {  	_ = 	snop;
	(pc) =	sbr.rel @p0 .LBB2_4-.Ltmp1, $4  }
0x25: {  	_ = 	snop  }
0x26: {  	_ =	swait.ge [sflag:s15], $0x800  }
0x27: {  	[sflag:s15] =	ssyncset.done $0x0  }
0x28: {  	s18 =	sadd.s32 $0xFFFFFFFF, s18;
	[sflag:s15] =	ssyncadd.s32 $0xFFFFF800  }
0x29: {  	s18 =	simm.s32 $0x0;
	s19 =	simm.s32 $0x2800  }
.LBB2_6:
0x2a: {  	p0 =	sne.s32 s18, $0x4E00  }
.Ltmp2:
0x2b: {  	_ = 	snop;
	(pc) =	sbr.rel @p0 .LBB2_6-.Ltmp2, $4  }
0x2c: {  	s20 =	sshra.s32 s18, $0x2  }
0x2d: {  	s20 =	sadd.s32 $0x1400, s20  }
0x2e: {  	[spmem:s2] =	stream.indirect.scatter.add.f32 [tilespmem:s19], [sflag:$0x2], $0x10, s20, s14, $0xb8;
	[tilespmem:$0x19000] =	vst v63  }
0x2f: {  	s18 =	sadd.s32 $0x200, s18;
	s19 =	sadd.s32 $0x800, s19  }
0x30: {  	_ =	swait.ge [sflag:s16], $0x800  }
0x31: {  	s18 =	simm.s32 $0x27;
	[sflag:s16] =	ssyncset.done $0x0  }
.LBB2_8:
0x32: {  	p0 =	sne.s32 s18, $0x1;
	s18 =	sadd.s32 $0xFFFFFFFF, s18;
	[sflag:s16] =	ssyncadd.s32 $0xFFFFF800  }
.Ltmp3:
0x33: {  	(pc) =	sbr.rel @p0 .LBB2_8-.Ltmp3, $3  }
0x34: {  	_ =	sdelay $0x1  }
0x35: {  	_ =	swait.ge [sflag:s16], $0x800  }
0x36: {  	[sflag:s16] =	ssyncset.done $0x0  }
0x37: {  	s17 =	sadd.s32 $0x1, s17  }
0x38: {  	[sflag:s16] =	ssyncadd.s32 $0xFFFFF800;
	p0 =	sne.s32 s17, s10  }
.Ltmp4:
0x39: {  	[bflag:$0x0] =	sbarrier.arrive $0xFFFF;
	(pc) =	sbr.rel @p0 .LBB2_1-.Ltmp4, $4  }
0x3a: {  	[hbm:s9], [sflag:s6] =	dma.local [spmem:s11], $0x500  }
0x3b: {  	_ =	swait.ge [sflag:s12], $0x500  }
0x3c: {  	[sflag:s12] =	ssyncset.done $0x0  }
0x3d: {  	[sflag:s12] =	ssyncadd.s32 $0xFFFFFB00  }
0x3e: {  	_ =	sfence.sel $0x180000  }
0x3f: {  	[bflag:$0x0] =	sbarrier.arrive $0xFFFF  }
0x40: {  	p0 =	sne.s32 s0, $0x0;
	_ =	strace $0x9000004D  }
0x41: {  	s0 =	sadd.s32 @!p0 $0x100000, s1;
	[bflag:$0x2] =	sbarrier.arrive $0xFFFF  }
0x42: {  	[sflag:s0] =	ssyncadd.tile.s32 @!p0 $0x1;
	_ =	shalt  }
.Lfunc_end2:
_tile_overlayer_lowered:
.L_overlay_start_2:
0x43: {  	(tag) =	ssettag $0x2  }
0x44: {  	s0 =	rddreg [dreg:$0x0];
	s2 =	stileid.u32  }
0x45: {  	s1 =	rddreg [dreg:$0x1];
	p0 =	sne.s32 s2, $0x0  }
0x46: {  	s3 =	rddreg [dreg:$0x2];
	[bflag:$0x3] =	sbarrier.arrive $0xFFFF;
	s2 =	simm.s32 @!p0 $0x1C03  }
0x47: {  	[timem:s3], [sflag:s2] =	dma.local @!p0 [hbm:s0], s1  }
0x48: {  	s0 =	simm.s32 @!p0 $0x3  }
0x49: {  	_ =	swait.ge @!p0 [sflag:s0], s1  }
0x4a: {  	s1 =	ssub.s32 @!p0 $0x0, s1;
	[sflag:s0] =	ssyncset.done @!p0 $0x0  }
0x4b: {  	[sflag:s0] =	ssyncadd.s32 @!p0 s1  }
0x4c: {  	[bflag:$0x3] =	sbarrier.arrive $0xFFFF  }
0x4d: {  	_ =	shalt  }

// kernel: kernel.9.cloned.1.call-start
scs
__scs_entry_jumppad:
0x0: {  	(pc) =	sbr.rel $0x88, $3  }
0x1: {  	(tag) =	ssettag $0x0;
	lr =	simm.s32 $0x1  }
0x2: {  	[smem:$0x3F9B] =	sst lr;
	_ =	strace $0xD0000000  }
0x3: {  	_ = 	snop  }
0x4: {  	_ = 	snop  }
0x5: {  	_ = 	snop  }
0x6: {  	_ = 	snop  }
0x7: {  	_ = 	snop  }
__scs_overlays_trampoline_lowered:
0x8: {  	[smem:$0x3FAA] =	sst s0  }
0x9: {  	[smem:$0x3FAB] =	sst s1  }
0xa: {  	[smem:$0x3FAC] =	sst s2  }
0xb: {  	[smem:$0x3FAD] =	sst s3  }
0xc: {  	[smem:$0x3FAE] =	sst s4  }
0xd: {  	[smem:$0x3FAF] =	sst s5  }
0xe: {  	[smem:$0x3FB0] =	sst s6  }
0xf: {  	[smem:$0x3FB1] =	sst s7  }
0x10: {  	[smem:$0x3FB2] =	sst s8  }
0x11: {  	[smem:$0x3FB3] =	sst s9;
	s0 =	simm.s32 @!p0 $0x0  }
0x12: {  	s1 =	sld [smem:$0x3F99];
	s0 =	simm.s32 @p0 $0x1  }
0x13: {  	[smem:$0x3FB4] =	sst s0;
	s0 =	simm.s32 @!p1 $0x0  }
0x14: {  	s2 =	sld [smem:$0x3F98];
	s0 =	simm.s32 @p1 $0x1  }
0x15: {  	[smem:$0x3FB5] =	sst s0;
	s0 =	simm.s32 @!p2 $0x0  }
0x16: {  	s3 =	sld [smem:$0x3FDB];
	s0 =	simm.s32 @p2 $0x1  }
0x17: {  	s4 =	simm.s32 $0x1BF5;
	[smem:$0x3FB7] =	sst s0  }
0x18: {  	s0 =	sld [smem:$0x3F9A];
	_ =	swait.ge [sflag:s4], $0x0  }
0x19: {  	s7 =	sld [smem:$0x3F9B]  }
0x1a: {  	s8 =	sadd.s32 $0xFFFFE003, lr  }
0x1b: {  	s9 =	sadd.s32 $0xFFFFFEF7, lr;
	s5 =	simm.s32 $0xFFFFFFFF;
	p2 =	slt.u32 s8, $0xFFFFF086  }
0x1c: {  	p1 =	slt.u32 s9, $0xF7A;
	s5 =	simm.s32 @!p2 $0x0  }
0x1d: {  	s5 =	simm.s32 @p1 $0x1;
	p0 =	seq.s32 s7, s2  }
0x1e: {  	s7 =	smul.u32 @!p0 $0xF7A, s2;
	p2 =	seq.s32 @!p0 s5, $0x0  }
0x1f: {  	s9 =	smul.u32 $0xF7A, s1;
	s8 =	simm.s32 @!p0 $0x1BF5;
	p2 =	por !p2, p0  }
0x20: {  	[sflag:s8] =	ssyncset.s32 @!p0 $0xFFFFF086;
	s6 =	sadd.s32 @!p0 s3, s7;
	s7 =	simm.s32 @!p0 $0x108  }
0x21: {  	s3 =	sadd.s32 s3, s9;
	s6 =	sadd.s32 @!p0 $0x88, s6;
	s7 =	simm.s32 @p2 $0x1082  }
0x22: {  	[simem:s7], [sflag:s8] =	dma.local @!p0 [hbm:s6], $0xF7A  }
0x23: {  	s9 =	sor.u32 $0xD0000000, s2;
	s6 =	simm.s32 $0x108;
	_ =	swait.ge @!p0 [sflag:s8], $0x0  }
0x24: {  	s3 =	sadd.s32 $0x88, s3;
	s6 =	simm.s32 @!p1 $0x1082;
	[sflag:s4] =	ssyncset.s32 $0xFFFFF086  }
0x25: {  	[simem:s6], [sflag:s4] =	dma.local [hbm:s3], $0xF7A  }
0x26: {  	[smem:$0x3F9B] =	sst s1;
	(tag) =	ssettag s2;
	_ =	strace s9  }
0x27: {  	s1 =	sld [smem:$0x3FAB]  }
0x28: {  	s2 =	sld [smem:$0x3FAC]  }
0x29: {  	s4 =	sld [smem:$0x3FAE]  }
0x2a: {  	p0 =	seq.s32 s5, $0x0;
	s5 =	sld [smem:$0x3FAF]  }
0x2b: {  	s6 =	sld [smem:$0x3FB0]  }
0x2c: {  	s7 =	sld [smem:$0x3FB1]  }
0x2d: {  	s3 =	simm.s32 $0x108;
	s8 =	sld [smem:$0x3FB2]  }
0x2e: {  	s3 =	simm.s32 @!p0 $0x1082;
	s9 =	sld [smem:$0x3FB3]  }
0x2f: {  	lr =	sadd.s32 s0, s3;
	s0 =	sld [smem:$0x3FAA]  }
0x30: {  	s3 =	sld [smem:$0x3FAD]  }
0x31: {  	[smem:$0x3FB6] =	sst s10  }
0x32: {  	s10 =	sld [smem:$0x3FB4];
	_ =	sdelay $0x3  }
0x33: {  	p0 =	seq.s32 s10, $0x1;
	s10 =	sld [smem:$0x3FB6];
	_ =	sdelay $0x3  }
0x34: {  	[smem:$0x3FB6] =	sst s10  }
0x35: {  	s10 =	sld [smem:$0x3FB5];
	_ =	sdelay $0x3  }
0x36: {  	p1 =	seq.s32 s10, $0x1;
	s10 =	sld [smem:$0x3FB6];
	_ =	sdelay $0x3  }
0x37: {  	[smem:$0x3FB6] =	sst s10  }
0x38: {  	s10 =	sld [smem:$0x3FB7]  }
0x39: {  	_ = 	snop;
	(pc) =	sbr.ind lr, $3  }
0x3a: {  	_ = 	snop  }
0x3b: {  	_ = 	snop  }
0x3c: {  	p2 =	seq.s32 s10, $0x1;
	s10 =	sld [smem:$0x3FB6]  }
0x3d: {  	_ =	shalt  }
0x3e: {  	_ =	shalt  }
0x3f: {  	_ =	shalt  }
0x40: {  	_ =	shalt  }
0x41: {  	_ =	shalt  }
0x42: {  	_ =	shalt  }
0x43: {  	_ =	shalt  }
0x44: {  	_ =	shalt  }
0x45: {  	_ =	shalt  }
0x46: {  	_ =	shalt  }
0x47: {  	_ =	shalt  }
0x48: {  	_ =	shalt  }
0x49: {  	_ =	shalt  }
0x4a: {  	_ =	shalt  }
0x4b: {  	_ =	shalt  }
0x4c: {  	_ =	shalt  }
0x4d: {  	_ =	shalt  }
0x4e: {  	_ =	shalt  }
0x4f: {  	_ =	shalt  }
0x50: {  	_ =	shalt  }
0x51: {  	_ =	shalt  }
0x52: {  	_ =	shalt  }
0x53: {  	_ =	shalt  }
0x54: {  	_ =	shalt  }
0x55: {  	_ =	shalt  }
0x56: {  	_ =	shalt  }
0x57: {  	_ =	shalt  }
0x58: {  	_ =	shalt  }
0x59: {  	_ =	shalt  }
0x5a: {  	_ =	shalt  }
0x5b: {  	_ =	shalt  }
0x5c: {  	_ =	shalt  }
0x5d: {  	_ =	shalt  }
0x5e: {  	_ =	shalt  }
0x5f: {  	_ =	shalt  }
0x60: {  	_ =	shalt  }
0x61: {  	_ =	shalt  }
0x62: {  	_ =	shalt  }
0x63: {  	_ =	shalt  }
0x64: {  	_ =	shalt  }
0x65: {  	_ =	shalt  }
0x66: {  	_ =	shalt  }
0x67: {  	_ =	shalt  }
0x68: {  	_ =	shalt  }
0x69: {  	_ =	shalt  }
0x6a: {  	_ =	shalt  }
0x6b: {  	_ =	shalt  }
0x6c: {  	_ =	shalt  }
0x6d: {  	_ =	shalt  }
0x6e: {  	_ =	shalt  }
0x6f: {  	_ =	shalt  }
0x70: {  	_ =	shalt  }
0x71: {  	_ =	shalt  }
0x72: {  	_ =	shalt  }
0x73: {  	_ =	shalt  }
0x74: {  	_ =	shalt  }
0x75: {  	_ =	shalt  }
0x76: {  	_ =	shalt  }
0x77: {  	_ =	shalt  }
0x78: {  	_ =	shalt  }
0x79: {  	_ =	shalt  }
0x7a: {  	_ =	shalt  }
0x7b: {  	_ =	shalt  }
0x7c: {  	_ =	shalt  }
0x7d: {  	_ =	shalt  }
0x7e: {  	_ =	shalt  }
0x7f: {  	_ =	shalt  }
0x80: {  	_ =	shalt  }
0x81: {  	_ =	shalt  }
0x82: {  	_ =	shalt  }
0x83: {  	_ =	shalt  }
0x84: {  	_ =	shalt  }
0x85: {  	_ =	shalt  }
0x86: {  	_ =	shalt  }
0x87: {  	_ =	shalt  }
.Lfunc_end0:
.L_simem_size_0:
called_computation_lowered:
.L_overlay_start_0:
0x88: {  	s2 =	sld [smem:$0x3FD9]  }
0x89: {  	s3 =	sld [smem:$0x3FFE];
	_ =	sdelay $0x1  }
0x8a: {  	s1 =	srdreg.scid  }
0x8b: {  	s0 =	sand.u32 $0x1, s1  }
0x8c: {  	s17 =	sshll.u32 s0, $0xA;
	s2 =	sadd.s32 s3, s2  }
0x8d: {  	s2 =	sadd.s32 s2, s17  }
0x8e: {  	[smem:$0x3FC2] =	sst s2  }
0x8f: {  	_ = 	snop  }
0x90: {  	s2 =	sld [smem:$0x3FD0];
	(tm) =	ssettm $0x1  }
0x91: {  	s18 =	sld [smem:$0x3FFB];
	_ =	sdelay $0x3  }
0x92: {  	_ =	strace s18  }
0x93: {  	s3 =	sld [smem:$0x3FFC];
	_ =	sdelay $0x3  }
0x94: {  	_ =	strace s3  }
0x95: {  	s3 =	sld [smem:$0x3FFD];
	_ =	sdelay $0x3  }
0x96: {  	_ =	strace s3  }
0x97: {  	_ =	strace $0x8FFFFFFF  }
0x98: {  	s19 =	sld [smem:$0x3FDB];
	_ =	sdelay $0x1  }
0x99: {  	s4 =	simm.s32 $_scs_section_size  }
0x9a: {  	s5 =	simm.s32 $_size__tile_overlayer_lowered;
	s6 =	simm.s32 $_tile_overlayer_lowered  }
0x9b: {  	s22 =	simm.s32 $0x1BFF;
	s21 =	sshll.u32 s6, $0x1;
	s3 =	sadd.s32 s4, s19  }
0x9c: {  	s7 =	simm.s32 $0x0;
	s20 =	sshll.u32 s5, $0x1;
	s5 =	sadd.s32 s21, s3  }
0x9d: {  	[timem:s7], [sflag:s22] =	dma.local [hbm:s5], s20  }
0x9e: {  	_ =	swait.ge [sflag:s22], s20  }
0x9f: {  	s4 =	ssub.s32 $0x0, s20;
	[sflag:s22] =	ssyncset.done $0x0  }
0xa0: {  	[sflag:s22] =	ssyncadd.s32 s4;
	_ =	sdelay $0x1  }
0xa1: {  	s23 =	simm.s32 $0x1B8B  }
0xa2: {  	_ =	swait.ge [sflag:s23], $0x1  }
0xa3: {  	[sflag:s23] =	ssyncset.done $0x0  }
0xa4: {  	s25 =	simm.s32 $0x1B8E;
	s24 =	sld [smem:$0x3FFE];
	[sflag:s23] =	ssyncadd.s32 $0xFFFFFFFF  }
0xa5: {  	s26 =	simm.s32 $execute0_lowered;
	[smem:$0x3FD2] =	sst s25  }
0xa6: {  	s5 =	sshll.u32 s26, $0x1;
	_ =	strace $0x80000046;
	[dreg:$0x1] =	wrdreg $0xFFFFFFFF  }
0xa7: {  	s28 =	simm.s32 $_size_execute0_lowered;
	s3 =	sadd.s32 s3, s5;
	[dreg:$0x0] =	wrdreg $0x0  }
0xa8: {  	s5 =	sshll.u32 s28, $0x1;
	[dreg:$0x2] =	wrdreg s3  }
0xa9: {  	[dreg:$0x3] =	wrdreg s5  }
0xaa: {  	[dreg:$0x4] =	wrdreg $0xC0  }
0xab: {  	_ =	task [dreg:s7], $0x5FFFF  }
0xac: {  	[dreg:$0x1] =	wrdreg $0xFFFFFFFF  }
0xad: {  	[dreg:$0x0] =	wrdreg $0x60  }
0xae: {  	[dreg:$0x2] =	wrdreg s24  }
0xaf: {  	[dreg:$0x3] =	wrdreg s2  }
0xb0: {  	[dreg:$0x4] =	wrdreg $0x14800  }
0xb1: {  	[dreg:$0x5] =	wrdreg $0x9  }
0xb2: {  	_ =	task.clear_ibuf [dreg:s7], $0x6FFFF;
	_ =	strace $0x90000046  }
0xb3: {  	s29 =	simm.s32 $0x9;
	_ =	strace $0x80000048  }
0xb4: {  	_ =	swait.ge [sflag:s29], $0x1  }
0xb5: {  	[sflag:s29] =	ssyncadd.s32 $0xFFFFFFFF  }
0xb6: {  	_ =	strace $0x90000048  }
0xb7: {  	_ =	sfence  }
0xb8: {  	s30 =	sld [smem:$0x0];
	_ =	sdelay $0x2  }
0xb9: {  	s31 =	sshll.u32 s1, $0xD;
	s1 =	sshrl.u32 s1, $0x2  }
0xba: {  	s3 =	sand.u32 $0x4000, s31;
	s1 =	sadd.s32 s1, s30  }
0xbb: {  	s0 =	sor.u32 s3, s0;
	s1 =	sshll.u32 s1, $0x11  }
0xbc: {  	s0 =	sor.u32 s1, s0  }
0xbd: {  	s0 =	sadd.s32 $0x8F2B, s0  }
0xbe: {  	[sflag:s0] =	ssyncadd.remote.s32 $0x1  }
0xbf: {  	_ =	sfence.sel $0xFFFF  }
0xc0: {  	[dreg:$0x0] =	wrdreg $0xFFFFFFFF;
	(pc) =	sbr.abs _section_cstart, $3  }
0xc1: {  	[dreg:$0x1] =	wrdreg $0xFFFFFFFF  }
0xc2: {  	_ =	task.clear_ibuf [dreg:s7], $0x2FFFF;
	_ =	strace $0x9FFFFFFF  }
0xc3: {  	(tm) =	ssettm $0x7FFFFFFF  }
tec
execute0_lowered:
.L_overlay_start_1:
0x0: {  	(tag) =	ssettag $0x1  }
0x1: {  	s0 =	rddreg [dreg:$0x0]  }
0x2: {  	s1 =	rddreg [dreg:$0x1]  }
0x3: {  	s3 =	srdreg.scid;
	s11 =	stileid.u32  }
0x4: {  	s2 =	rddreg [dreg:$0x2];
	s12 =	simm.s32 $0x1400;
	s14 =	simm.s32 $0xB80  }
0x5: {  	s15 =	simm.s32 $0xC00;
	s16 =	simm.s32 $0xC80;
	s17 =	simm.s32 $0xD00  }
0x6: {  	s18 =	simm.s32 $0xD80;
	s19 =	simm.s32 $0xE00;
	s20 =	simm.s32 $0xE80  }
0x7: {  	s21 =	simm.s32 $0xF00;
	s22 =	simm.s32 $0xF80;
	s28 =	simm.s32 $0x1200  }
0x8: {  	s29 =	simm.s32 $0x1280;
	s30 =	simm.s32 $0x1300;
	s31 =	simm.s32 $0x1380  }
0x9: {  	s4 =	sand.u32 $0x1, s3;
	s5 =	sshll.u32 s11, $0x1;
	s3 =	simm.s32 $0x0  }
0xa: {  	s6 =	sshll.u32 s11, $0x7;
	s8 =	sshll.u32 s11, $0xA;
	s26 =	sshll.u32 s11, $0x6  }
0xb: {  	s11 =	simm.s32 $0x80;
	s5 =	sor.u32 s4, s5;
	[smem:$0x7FF] =	sst s3  }
0xc: {  	s23 =	ssub.s32 $0x2, s4;
	s4 =	sshll.u32 s4, $0xE;
	s10 =	sadd.s32 s8, s2  }
0xd: {  	s5 =	smul.u32 $0x280, s5;
	s24 =	sshrl.u32 s23, $0x1;
	s25 =	sor.u32 s8, s4  }
0xe: {  	_ =	strace $0x80000047;
	s9 =	ssub.s32 s23, s24;
	s8 =	sshrl.u32 s25, $0x3  }
0xf: {  	s23 =	simm.s32 $0x1000;
	s24 =	simm.s32 $0x1080;
	s25 =	simm.s32 $0x1100  }
0x10: {  	s7 =	sadd.s32 s5, s0;
	s0 =	sadd.s32 s6, s0;
	s5 =	sor.u32 $0x1C02, s26  }
0x11: {  	s26 =	simm.s32 $0x1180;
	s4 =	sadd.s32 $0x6C00, s0;
	s6 =	sadd.s32 $0x1C00, s7  }
0x12: {  	s7 =	sadd.s32 s1, s8;
	s8 =	smax.u32 s9, $0x1;
	s9 =	sshrl.u32 s10, $0x3  }
0x13: {  	v0 =	vimm.f32 $1.000000000e+00;
	s10 =	simm.s32 $0x2;
	s1 =	simm.s32 $0x1;
	s0 =	simm.s32 $0x0  }
.LBB2_1:
0x14: {  	[spmem:s9], [sflag:s5] =	dma.local [hbm:s4], $0x80  }
0x15: {  	_ =	swait.ge [sflag:s10], $0x80  }
0x16: {  	[sflag:s10] =	ssyncset.done $0x0  }
0x17: {  	[sflag:s10] =	ssyncadd.s32 $0xFFFFFF80  }
0x18: {  	[tilespmem:s3], [sflag:$0x2] =	stream.linear.gather [hbm4b:s6+s3], $0x1400, $0x38;
	[tilespmem:$0x1880] =	vst v63  }
0x19: {  	_ =	swait.ge [sflag:s10], $0x1400  }
0x1a: {  	[sflag:s10] =	ssyncset.done $0x0  }
0x1b: {  	[sflag:s10] =	ssyncadd.s32 $0xFFFFEC00  }
0x1c: {  	[tilespmem:$0x1400] =	vst v0  }
0x1d: {  	[tilespmem:$0x1410] =	vst v0  }
0x1e: {  	[tilespmem:$0x1420] =	vst v0  }
0x1f: {  	[tilespmem:$0x1430] =	vst v0  }
0x20: {  	[tilespmem:$0x1440] =	vst v0  }
0x21: {  	[tilespmem:$0x1450] =	vst v0  }
0x22: {  	[tilespmem:$0x1460] =	vst v0  }
0x23: {  	[tilespmem:$0x1470] =	vst v0  }
0x24: {  	[bflag:$0x0] =	sbarrier.arrive $0xFFFF  }
0x25: {  	[spmem:s2] =	stream.indirect.scatter.add.f32 [tilespmem:s12], [sflag:$0x1], $0x1, s3, s11, $0xb8;
	[tilespmem:$0x1880] =	vst v63  }
0x26: {  	_ = 	snop  }
0x27: {  	[spmem:s2] =	stream.indirect.scatter.add.f32 [tilespmem:s12], [sflag:$0x1], $0x1, s11, s11, $0xb8;
	[tilespmem:$0x1880] =	vst v63  }
0x28: {  	s13 =	simm.s32 $0x100  }
0x29: {  	[spmem:s2] =	stream.indirect.scatter.add.f32 [tilespmem:s12], [sflag:$0x1], $0x1, s13, s11, $0xb8;
	[tilespmem:$0x1880] =	vst v63  }
0x2a: {  	s13 =	simm.s32 $0x180  }
0x2b: {  	[spmem:s2] =	stream.indirect.scatter.add.f32 [tilespmem:s12], [sflag:$0x1], $0x1, s13, s11, $0xb8;
	[tilespmem:$0x1880] =	vst v63  }
0x2c: {  	s13 =	simm.s32 $0x200  }
0x2d: {  	[spmem:s2] =	stream.indirect.scatter.add.f32 [tilespmem:s12], [sflag:$0x1], $0x1, s13, s11, $0xb8;
	[tilespmem:$0x1880] =	vst v63  }
0x2e: {  	s13 =	simm.s32 $0x280  }
0x2f: {  	[spmem:s2] =	stream.indirect.scatter.add.f32 [tilespmem:s12], [sflag:$0x1], $0x1, s13, s11, $0xb8;
	[tilespmem:$0x1880] =	vst v63  }
0x30: {  	s13 =	simm.s32 $0x300  }
0x31: {  	[spmem:s2] =	stream.indirect.scatter.add.f32 [tilespmem:s12], [sflag:$0x1], $0x1, s13, s11, $0xb8;
	[tilespmem:$0x1880] =	vst v63  }
0x32: {  	s13 =	simm.s32 $0x380  }
0x33: {  	[spmem:s2] =	stream.indirect.scatter.add.f32 [tilespmem:s12], [sflag:$0x1], $0x1, s13, s11, $0xb8;
	[tilespmem:$0x1880] =	vst v63  }
0x34: {  	s13 =	simm.s32 $0x400  }
0x35: {  	[spmem:s2] =	stream.indirect.scatter.add.f32 [tilespmem:s12], [sflag:$0x1], $0x1, s13, s11, $0xb8;
	[tilespmem:$0x1880] =	vst v63  }
0x36: {  	s13 =	simm.s32 $0x480  }
0x37: {  	[spmem:s2] =	stream.indirect.scatter.add.f32 [tilespmem:s12], [sflag:$0x1], $0x1, s13, s11, $0xb8;
	[tilespmem:$0x1880] =	vst v63  }
0x38: {  	s13 =	simm.s32 $0x500  }
0x39: {  	[spmem:s2] =	stream.indirect.scatter.add.f32 [tilespmem:s12], [sflag:$0x1], $0x1, s13, s11, $0xb8;
	[tilespmem:$0x1880] =	vst v63  }
0x3a: {  	s13 =	simm.s32 $0x580  }
0x3b: {  	[spmem:s2] =	stream.indirect.scatter.add.f32 [tilespmem:s12], [sflag:$0x1], $0x1, s13, s11, $0xb8;
	[tilespmem:$0x1880] =	vst v63  }
0x3c: {  	s13 =	simm.s32 $0x600  }
0x3d: {  	[spmem:s2] =	stream.indirect.scatter.add.f32 [tilespmem:s12], [sflag:$0x1], $0x1, s13, s11, $0xb8;
	[tilespmem:$0x1880] =	vst v63  }
0x3e: {  	s13 =	simm.s32 $0x680  }
0x3f: {  	[spmem:s2] =	stream.indirect.scatter.add.f32 [tilespmem:s12], [sflag:$0x1], $0x1, s13, s11, $0xb8;
	[tilespmem:$0x1880] =	vst v63  }
0x40: {  	s13 =	simm.s32 $0x700  }
0x41: {  	[spmem:s2] =	stream.indirect.scatter.add.f32 [tilespmem:s12], [sflag:$0x1], $0x1, s13, s11, $0xb8;
	[tilespmem:$0x1880] =	vst v63  }
0x42: {  	s13 =	simm.s32 $0x780  }
0x43: {  	[spmem:s2] =	stream.indirect.scatter.add.f32 [tilespmem:s12], [sflag:$0x1], $0x1, s13, s11, $0xb8;
	[tilespmem:$0x1880] =	vst v63  }
0x44: {  	s13 =	simm.s32 $0x800  }
0x45: {  	[spmem:s2] =	stream.indirect.scatter.add.f32 [tilespmem:s12], [sflag:$0x1], $0x1, s13, s11, $0xb8;
	[tilespmem:$0x1880] =	vst v63  }
0x46: {  	s13 =	simm.s32 $0x880  }
0x47: {  	[spmem:s2] =	stream.indirect.scatter.add.f32 [tilespmem:s12], [sflag:$0x1], $0x1, s13, s11, $0xb8;
	[tilespmem:$0x1880] =	vst v63  }
0x48: {  	s13 =	simm.s32 $0x900  }
0x49: {  	[spmem:s2] =	stream.indirect.scatter.add.f32 [tilespmem:s12], [sflag:$0x1], $0x1, s13, s11, $0xb8;
	[tilespmem:$0x1880] =	vst v63  }
0x4a: {  	s13 =	simm.s32 $0x980  }
0x4b: {  	[spmem:s2] =	stream.indirect.scatter.add.f32 [tilespmem:s12], [sflag:$0x1], $0x1, s13, s11, $0xb8;
	[tilespmem:$0x1880] =	vst v63  }
0x4c: {  	s13 =	simm.s32 $0xA00  }
0x4d: {  	[spmem:s2] =	stream.indirect.scatter.add.f32 [tilespmem:s12], [sflag:$0x1], $0x1, s13, s11, $0xb8;
	[tilespmem:$0x1880] =	vst v63  }
0x4e: {  	s13 =	simm.s32 $0xA80  }
0x4f: {  	[spmem:s2] =	stream.indirect.scatter.add.f32 [tilespmem:s12], [sflag:$0x1], $0x1, s13, s11, $0xb8;
	[tilespmem:$0x1880] =	vst v63  }
0x50: {  	s13 =	simm.s32 $0xB00  }
0x51: {  	[spmem:s2] =	stream.indirect.scatter.add.f32 [tilespmem:s12], [sflag:$0x1], $0x1, s13, s11, $0xb8;
	[tilespmem:$0x1880] =	vst v63  }
0x52: {  	_ = 	snop  }
0x53: {  	[spmem:s2] =	stream.indirect.scatter.add.f32 [tilespmem:s12], [sflag:$0x1], $0x1, s14, s11, $0xb8;
	[tilespmem:$0x1880] =	vst v63  }
0x54: {  	_ = 	snop  }
0x55: {  	[spmem:s2] =	stream.indirect.scatter.add.f32 [tilespmem:s12], [sflag:$0x1], $0x1, s15, s11, $0xb8;
	[tilespmem:$0x1880] =	vst v63  }
0x56: {  	_ = 	snop  }
0x57: {  	[spmem:s2] =	stream.indirect.scatter.add.f32 [tilespmem:s12], [sflag:$0x1], $0x1, s16, s11, $0xb8;
	[tilespmem:$0x1880] =	vst v63  }
0x58: {  	_ = 	snop  }
0x59: {  	[spmem:s2] =	stream.indirect.scatter.add.f32 [tilespmem:s12], [sflag:$0x1], $0x1, s17, s11, $0xb8;
	[tilespmem:$0x1880] =	vst v63  }
0x5a: {  	_ = 	snop  }
0x5b: {  	[spmem:s2] =	stream.indirect.scatter.add.f32 [tilespmem:s12], [sflag:$0x1], $0x1, s18, s11, $0xb8;
	[tilespmem:$0x1880] =	vst v63  }
0x5c: {  	_ = 	snop  }
0x5d: {  	[spmem:s2] =	stream.indirect.scatter.add.f32 [tilespmem:s12], [sflag:$0x1], $0x1, s19, s11, $0xb8;
	[tilespmem:$0x1880] =	vst v63  }
0x5e: {  	_ = 	snop  }
0x5f: {  	[spmem:s2] =	stream.indirect.scatter.add.f32 [tilespmem:s12], [sflag:$0x1], $0x1, s20, s11, $0xb8;
	[tilespmem:$0x1880] =	vst v63  }
0x60: {  	_ = 	snop  }
0x61: {  	[spmem:s2] =	stream.indirect.scatter.add.f32 [tilespmem:s12], [sflag:$0x1], $0x1, s21, s11, $0xb8;
	[tilespmem:$0x1880] =	vst v63  }
0x62: {  	_ = 	snop  }
0x63: {  	[spmem:s2] =	stream.indirect.scatter.add.f32 [tilespmem:s12], [sflag:$0x1], $0x1, s22, s11, $0xb8;
	[tilespmem:$0x1880] =	vst v63  }
0x64: {  	_ = 	snop  }
0x65: {  	[spmem:s2] =	stream.indirect.scatter.add.f32 [tilespmem:s12], [sflag:$0x1], $0x1, s23, s11, $0xb8;
	[tilespmem:$0x1880] =	vst v63  }
0x66: {  	_ = 	snop  }
0x67: {  	[spmem:s2] =	stream.indirect.scatter.add.f32 [tilespmem:s12], [sflag:$0x1], $0x1, s24, s11, $0xb8;
	[tilespmem:$0x1880] =	vst v63  }
0x68: {  	_ = 	snop  }
0x69: {  	[spmem:s2] =	stream.indirect.scatter.add.f32 [tilespmem:s12], [sflag:$0x1], $0x1, s25, s11, $0xb8;
	[tilespmem:$0x1880] =	vst v63  }
0x6a: {  	_ = 	snop  }
0x6b: {  	[spmem:s2] =	stream.indirect.scatter.add.f32 [tilespmem:s12], [sflag:$0x1], $0x1, s26, s11, $0xb8;
	[tilespmem:$0x1880] =	vst v63  }
0x6c: {  	_ = 	snop  }
0x6d: {  	[spmem:s2] =	stream.indirect.scatter.add.f32 [tilespmem:s12], [sflag:$0x1], $0x1, s28, s11, $0xb8;
	[tilespmem:$0x1880] =	vst v63  }
0x6e: {  	_ = 	snop  }
0x6f: {  	[spmem:s2] =	stream.indirect.scatter.add.f32 [tilespmem:s12], [sflag:$0x1], $0x1, s29, s11, $0xb8;
	[tilespmem:$0x1880] =	vst v63  }
0x70: {  	_ = 	snop  }
0x71: {  	[spmem:s2] =	stream.indirect.scatter.add.f32 [tilespmem:s12], [sflag:$0x1], $0x1, s30, s11, $0xb8;
	[tilespmem:$0x1880] =	vst v63  }
0x72: {  	_ = 	snop  }
0x73: {  	[spmem:s2] =	stream.indirect.scatter.add.f32 [tilespmem:s12], [sflag:$0x1], $0x1, s31, s11, $0xb8;
	[tilespmem:$0x1880] =	vst v63  }
0x74: {  	_ =	swait.ge [sflag:s1], $0x80  }
0x75: {  	s13 =	simm.s32 $0x27;
	[sflag:s1] =	ssyncset.done $0x0  }
.LBB2_2:
0x76: {  	p0 =	sne.s32 s13, $0x1;
	s13 =	sadd.s32 $0xFFFFFFFF, s13;
	[sflag:s1] =	ssyncadd.s32 $0xFFFFFF80  }
.Ltmp0:
0x77: {  	(pc) =	sbr.rel @p0 .LBB2_2-.Ltmp0, $3  }
0x78: {  	_ =	sdelay $0x1  }
0x79: {  	_ =	swait.ge [sflag:s1], $0x80  }
0x7a: {  	[sflag:s1] =	ssyncset.done $0x0  }
0x7b: {  	s0 =	sadd.s32 $0x1, s0  }
0x7c: {  	[sflag:s1] =	ssyncadd.s32 $0xFFFFFF80;
	p0 =	sne.s32 s0, s8  }
.Ltmp1:
0x7d: {  	[bflag:$0x0] =	sbarrier.arrive $0xFFFF;
	(pc) =	sbr.rel @p0 .LBB2_1-.Ltmp1, $4  }
0x7e: {  	[hbm:s7], [sflag:s5] =	dma.local [spmem:s9], $0x80  }
0x7f: {  	_ =	swait.ge [sflag:s10], $0x80  }
0x80: {  	[sflag:s10] =	ssyncset.done $0x0  }
0x81: {  	[sflag:s10] =	ssyncadd.s32 $0xFFFFFF80  }
0x82: {  	_ =	sfence.sel $0x180000  }
0x83: {  	[bflag:$0x0] =	sbarrier.arrive $0xFFFF  }
0x84: {  	_ =	strace $0x90000047  }
0x85: {  	s0 =	stileid.u32;
	[bflag:$0x2] =	sbarrier.arrive $0xFFFF  }
0x86: {  	p0 =	sne.s32 s0, $0x0;
	s0 =	rddreg [dreg:$0x3]  }
0x87: {  	s0 =	sadd.s32 @!p0 $0x100000, s0  }
0x88: {  	[sflag:s0] =	ssyncadd.tile.s32 @!p0 $0x1;
	_ =	shalt  }
.Lfunc_end2:
_tile_overlayer_lowered:
.L_overlay_start_2:
0x89: {  	(tag) =	ssettag $0x2  }
0x8a: {  	s0 =	rddreg [dreg:$0x0];
	s2 =	stileid.u32  }
0x8b: {  	s1 =	rddreg [dreg:$0x1];
	p0 =	sne.s32 s2, $0x0  }
0x8c: {  	s3 =	rddreg [dreg:$0x2];
	[bflag:$0x3] =	sbarrier.arrive $0xFFFF;
	s2 =	simm.s32 @!p0 $0x1C02  }
0x8d: {  	[timem:s3], [sflag:s2] =	dma.local @!p0 [hbm:s0], s1  }
0x8e: {  	s0 =	simm.s32 @!p0 $0x2  }
0x8f: {  	_ =	swait.ge @!p0 [sflag:s0], s1  }
0x90: {  	s1 =	ssub.s32 @!p0 $0x0, s1;
	[sflag:s0] =	ssyncset.done @!p0 $0x0  }
0x91: {  	[sflag:s0] =	ssyncadd.s32 @!p0 s1  }
0x92: {  	[bflag:$0x3] =	sbarrier.arrive $0xFFFF  }
0x93: {  	_ =	shalt  }

</sc_bundles>
